<compile_context>
chip_gen: v7x
topology: tpu7x:2x2x1
jax: 0.10.2.dev20260603
libtpu: 0.0.44.dev20260713+nightly
codegen_flags: <defaults>
</compile_context>

<pallas_src>
import functools

import jax
import jax.numpy as jnp
from jax import lax
from jax.experimental import pallas as pl
from jax.experimental.pallas import tpu as pltpu
from jax.experimental.pallas import tpu_sc as plsc

NB_TEST = 1024
N_CAND = 16384
K = 64
LANES = 16
NUM_CORES = 2
NUM_SUBCORES = 16
NUM_WORKERS = NUM_CORES * NUM_SUBCORES
ROWS_PER_WORKER = NB_TEST // NUM_WORKERS
VREGS_PER_ROW = N_CAND // LANES
SCAN_UNROLL = 8
THRESH0 = 160.0 / N_CAND
MAX_FINITE_BITS = 0x7F7FFFFF


def _sc_body(ged_h, y_h, coef_h, out_h,
             rb0, rb1, cidx, y_v, coef_v, out_v, sem0, sem1):
    wid = lax.axis_index("s") * NUM_CORES + lax.axis_index("c")
    base_row = wid * ROWS_PER_WORKER

    pltpu.sync_copy(y_h, y_v)
    pltpu.sync_copy(coef_h, coef_v)
    coef = coef_v[...]
    alpha = coef * coef

    lane = lax.iota(jnp.int32, LANES)
    zf = jnp.zeros((LANES,), jnp.float32)
    zi = jnp.zeros((LANES,), jnp.int32)

    def scan_pass(rowbuf, t_vec):
        def sbody(i, off):
            base = i * SCAN_UNROLL
            vs = [rowbuf[pl.ds((base + u) * LANES, LANES)]
                  for u in range(SCAN_UNROLL)]
            ms = [v < t_vec for v in vs]
            cums = [plsc.cumsum(m.astype(jnp.int32)) for m in ms]
            cnts = [plsc.all_reduce_population_count(m) for m in ms]
            offs = [off]
            for u in range(SCAN_UNROLL):
                offs.append(offs[u] + cnts[u])
            for u in range(SCAN_UNROLL):
                pos = offs[u] + cums[u] - 1
                iv = lane + (base + u) * LANES
                plsc.store_scatter(cidx, [pos], iv, mask=ms[u])
            return offs[SCAN_UNROLL]
        return lax.fori_loop(0, VREGS_PER_ROW // SCAN_UNROLL, sbody, zi)

    def process_row(rowbuf):
        t0_vec = jnp.full((LANES,), THRESH0, jnp.float32)
        off = scan_pass(rowbuf, t0_vec)
        cnt = jnp.max(off)

        @pl.when(cnt < K)
        def _fallback():
            scan_pass(rowbuf, jnp.full((LANES,), jnp.inf, jnp.float32))

        cnt = jnp.where(cnt < K, N_CAND, cnt)
        nv = (cnt + LANES - 1) >> 4

        def cand_vals_at(j, valid):
            iv = cidx[pl.ds(j * LANES, LANES)]
            v = plsc.load_gather(rowbuf, [iv], mask=valid)
            return iv, plsc.bitcast(v, jnp.int32), v

        def count_le(mid_vec):
            def cbody(j, acc):
                valid = (lane + j * LANES) < cnt
                _, kb, _ = cand_vals_at(j, valid)
                mle = valid & (kb <= mid_vec)
                return acc + plsc.all_reduce_population_count(mle)
            return lax.fori_loop(0, nv, cbody, zi)

        def bbody(_, lh):
            lo, hi = lh
            mid = lo + ((hi - lo) >> 1)
            ge = count_le(mid) >= K
            return jnp.where(ge, lo, mid + 1), jnp.where(ge, mid, hi)

        t_bits, _ = lax.fori_loop(
            0, 31, bbody,
            (zi, jnp.full((LANES,), MAX_FINITE_BITS, jnp.int32)))
        n_less = count_le(t_bits - 1)
        m_need = K - n_less

        def fbody(j, carry):
            num, den, run_eq = carry
            valid = (lane + j * LANES) < cnt
            iv, kb, v = cand_vals_at(j, valid)
            eq = valid & (kb == t_bits)
            pref = plsc.cumsum(eq.astype(jnp.int32)) + run_eq
            sel = (valid & (kb < t_bits)) | (eq & (pref <= m_need))
            yg = plsc.load_gather(y_v, [iv], mask=sel)
            yg = jnp.where(sel, yg, 0.0)
            s = jnp.where(sel, jnp.exp(-alpha * v), 0.0)
            run_eq = run_eq + plsc.all_reduce_population_count(eq)
            return num + s * yg, den + s, run_eq

        num, den, _ = lax.fori_loop(0, nv, fbody, (zf, zf, zi))
        num_b = jnp.broadcast_to(jnp.sum(num), (LANES,))
        den_b = jnp.broadcast_to(jnp.sum(den), (LANES,))
        return num_b / den_b

    def row_slice(r):
        return ged_h.at[pl.ds((base_row + r) * N_CAND, N_CAND)]

    pltpu.make_async_copy(row_slice(0), rb0, sem0).start()

    def step(g, carry):
        out0, out1 = carry
        r0 = 2 * g

        def put(out0, out1, r, val_vec):
            in0 = r < NUM_SUBCORES
            sel0 = (lane == r) & in0
            sel1 = (lane == (r - NUM_SUBCORES)) & jnp.logical_not(in0)
            return (jnp.where(sel0, val_vec, out0),
                    jnp.where(sel1, val_vec, out1))

        pltpu.make_async_copy(row_slice(r0 + 1), rb1, sem1).start()
        pltpu.make_async_copy(row_slice(r0), rb0, sem0).wait()
        out0, out1 = put(out0, out1, r0, process_row(rb0))

        @pl.when(g < ROWS_PER_WORKER // 2 - 1)
        def _prefetch():
            pltpu.make_async_copy(row_slice(r0 + 2), rb0, sem0).start()

        pltpu.make_async_copy(row_slice(r0 + 1), rb1, sem1).wait()
        out0, out1 = put(out0, out1, r0 + 1, process_row(rb1))
        return out0, out1

    out0, out1 = lax.fori_loop(0, ROWS_PER_WORKER // 2, step, (zf, zf))
    out_v[pl.ds(0, LANES)] = out0
    out_v[pl.ds(LANES, LANES)] = out1
    pltpu.sync_copy(out_v, out_h.at[pl.ds(base_row, ROWS_PER_WORKER)])


_sc_kernel = functools.partial(
    pl.kernel,
    mesh=plsc.VectorSubcoreMesh(core_axis_name="c", subcore_axis_name="s"),
    out_type=jax.ShapeDtypeStruct((NB_TEST,), jnp.float32),
    compiler_params=pltpu.CompilerParams(needs_layout_passes=False),
    scratch_types=[
        pltpu.VMEM((N_CAND,), jnp.float32),
        pltpu.VMEM((N_CAND,), jnp.float32),
        pltpu.VMEM((N_CAND,), jnp.int32),
        pltpu.VMEM((N_CAND,), jnp.float32),
        pltpu.VMEM((LANES,), jnp.float32),
        pltpu.VMEM((NUM_WORKERS,), jnp.float32),
        pltpu.SemaphoreType.DMA,
        pltpu.SemaphoreType.DMA,
    ],
)(_sc_body)


@jax.jit
def kernel(ged, y, coef_dist):
    coef16 = jnp.broadcast_to(coef_dist.astype(jnp.float32), (LANES,))
    return _sc_kernel(ged, y, coef16)

# --- scband reference (transcript-rebuilt; emitter-appended) ---
"""Pipeline reference for scband-knn-regress-from-ged-40681930228157 (READ-ONLY COPY).

The authoritative reference and input builder live on the scoring server;
editing this copy changes nothing except your own understanding.
"""

import jax, jax.numpy as jnp
import numpy as np

NB_TEST = 1024
K = 64
N_CAND = 16384

def setup_inputs(seed: int = 0) -> dict:
    key = jax.random.key(seed)
    k1, k2 = jax.random.split(key, 2)
    ged = jax.random.uniform(k1, (NB_TEST * N_CAND,), dtype=jnp.float32)
    y = jax.random.normal(k2, (N_CAND,), dtype=jnp.float32)
    coef_dist = jnp.asarray(0.1, dtype=jnp.float32)
    return {"ged": ged, "y": y, "coef_dist": coef_dist}

def reference(ged, y, coef_dist):
    # alpha = coef_dist ** 2 (weights == 'distance' branch)
    alpha = coef_dist * coef_dist
    train_minus = ged.shape[0] // NB_TEST  # train_size - nb_test
    x = ged.reshape((NB_TEST, train_minus))
    # torch.topk(x, k, largest=False) == smallest k, ascending
    neg_val, ind = jax.lax.top_k(-x, K)
    val = -neg_val
    sim = jnp.exp(-alpha * val)
    gathered = y[ind]  # [NB_TEST, K] gather from label table
    return jnp.sum(sim * gathered, axis=1) / jnp.sum(sim, axis=1)

if __name__ == "__main__":
    import jax
    _d = setup_inputs()
    print(jax.jit(kernel)(*tuple(_d.values())))

</pallas_src>

<mosaic_0001>
#map = affine_map<(d0, d1) -> (0)>
module attributes {stable_mosaic.version = 14 : i64} {
  func.func @_sc_body(%arg0: i32, %arg1: i32, %arg2: memref<16777216xf32, #tpu.memory_space<hbm>>, %arg3: memref<16384xf32, #tpu.memory_space<hbm>>, %arg4: memref<16xf32, #tpu.memory_space<hbm>>, %arg5: memref<1024xf32, #tpu.memory_space<hbm>>, %arg6: memref<16384xf32, #tpu.memory_space<vmem>>, %arg7: memref<16384xf32, #tpu.memory_space<vmem>>, %arg8: memref<16384xi32, #tpu.memory_space<vmem>>, %arg9: memref<16384xf32, #tpu.memory_space<vmem>>, %arg10: memref<16xf32, #tpu.memory_space<vmem>>, %arg11: memref<32xf32, #tpu.memory_space<vmem>>, %arg12: memref<!tpu.dma_semaphore, #tpu.memory_space<semaphore_mem>>, %arg13: memref<!tpu.dma_semaphore, #tpu.memory_space<semaphore_mem>>) attributes {dimension_semantics = [#tpu.dimension_semantics<core_parallel>, #tpu.dimension_semantics<subcore_parallel>], iteration_bounds = array<i64: 2, 16>, scalar_prefetch = 0 : i64, scratch_operands = 8 : i64, tpu.core_type = #tpu.core_type<sc_vector_subcore>, window_params = [{transform_indices = #map}, {transform_indices = #map}, {transform_indices = #map}, {transform_indices = #map}]} {
    %mul3A = arith.constant 2 : i32
    %mul3A_0 = arith.muli %arg1, %mul3A : i32
    %add3A = arith.addi %mul3A_0, %arg0 : i32
    %mul3A_1 = arith.constant 32 : i32
    %mul3A_2 = arith.muli %add3A, %mul3A_1 : i32
    "tpu.region"() ({
      %run_scoped3A = tpu.sem_alloc : memref<!tpu.dma_semaphore, #tpu.memory_space<semaphore_mem>>
      tpu.enqueue_dma source(%arg3 : memref<16384xf32, #tpu.memory_space<hbm>>) target(%arg9 : memref<16384xf32, #tpu.memory_space<vmem>>) target_semaphore(%run_scoped3A : memref<!tpu.dma_semaphore, #tpu.memory_space<semaphore_mem>>)
      tpu.wait_dma2 semaphore(%run_scoped3A : memref<!tpu.dma_semaphore, #tpu.memory_space<semaphore_mem>>) src(%arg3 : memref<16384xf32, #tpu.memory_space<hbm>>) dst(%arg9 : memref<16384xf32, #tpu.memory_space<vmem>>)
      tpu.yield
    }) : () -> ()
    "tpu.region"() ({
      %run_scoped3A = tpu.sem_alloc : memref<!tpu.dma_semaphore, #tpu.memory_space<semaphore_mem>>
      tpu.enqueue_dma source(%arg4 : memref<16xf32, #tpu.memory_space<hbm>>) target(%arg10 : memref<16xf32, #tpu.memory_space<vmem>>) target_semaphore(%run_scoped3A : memref<!tpu.dma_semaphore, #tpu.memory_space<semaphore_mem>>)
      tpu.wait_dma2 semaphore(%run_scoped3A : memref<!tpu.dma_semaphore, #tpu.memory_space<semaphore_mem>>) src(%arg4 : memref<16xf32, #tpu.memory_space<hbm>>) dst(%arg10 : memref<16xf32, #tpu.memory_space<vmem>>)
      tpu.yield
    }) : () -> ()
    %get3A = arith.constant 0 : index
    %get3A_3 = tpu.vector_load %arg10[%get3A] {strides = array<i32>} : memref<16xf32, #tpu.memory_space<vmem>>, vector<16xf32>,
    %mul3A_4 = arith.mulf %get3A_3, %get3A_3 : vector<16xf32>
    %iota3A = tpu.iota {dimensions = array<i32: 0>} : vector<16xi32>
    %broadcast_in_dim3A = arith.constant 0.000000e+00 : f32
    %broadcast_in_dim3A_5 = vector.broadcast %broadcast_in_dim3A : f32 to vector<16xf32>
    %broadcast_in_dim3A_6 = arith.constant 0 : i32
    %broadcast_in_dim3A_7 = vector.broadcast %broadcast_in_dim3A_6 : i32 to vector<16xi32>
    %add3A_8 = arith.constant 0 : i32
    %add3A_9 = arith.addi %mul3A_2, %add3A_8 : i32
    %mul3A_10 = arith.constant 16384 : i32
    %mul3A_11 = arith.muli %add3A_9, %mul3A_10 : i32
    %dma_start3A = tpu.memref_slice %arg2[%mul3A_11] : memref<16777216xf32, #tpu.memory_space<hbm>> -> memref<16384xf32, #tpu.memory_space<hbm>>
    %dma_start3A_12 = tpu.memref_slice %arg2[%mul3A_11] : memref<16777216xf32, #tpu.memory_space<hbm>> -> memref<16384xf32, #tpu.memory_space<hbm>>
    tpu.enqueue_dma source(%dma_start3A_12 : memref<16384xf32, #tpu.memory_space<hbm>>) target(%arg6 : memref<16384xf32, #tpu.memory_space<vmem>>) target_semaphore(%arg12 : memref<!tpu.dma_semaphore, #tpu.memory_space<semaphore_mem>>)
    %scan3A = arith.constant 0 : i32
    %scan3A_13 = arith.constant 16 : i32
    %scan3A_14 = arith.addi %scan3A, %scan3A_13 : i32
    %scan3A_15 = arith.constant 1 : i32
    %scan3A_16:2 = scf.for %scan3A_21 = %scan3A to %scan3A_14 step %scan3A_15 iter_args(%scan3A_22 = %broadcast_in_dim3A_5, %scan3A_23 = %broadcast_in_dim3A_5) -> (vector<16xf32>, vector<16xf32>)  : i32 {
      %mul3A_24 = arith.constant 2 : i32
      %mul3A_25 = arith.muli %mul3A_24, %scan3A_21 : i32
      %add3A_26 = arith.constant 1 : i32
      %add3A_27 = arith.addi %mul3A_25, %add3A_26 : i32
      %add3A_28 = arith.addi %mul3A_2, %add3A_27 : i32
      %mul3A_29 = arith.constant 16384 : i32
      %mul3A_30 = arith.muli %add3A_28, %mul3A_29 : i32
      %dma_start3A_31 = tpu.memref_slice %arg2[%mul3A_30] : memref<16777216xf32, #tpu.memory_space<hbm>> -> memref<16384xf32, #tpu.memory_space<hbm>>
      %dma_start3A_32 = tpu.memref_slice %arg2[%mul3A_30] : memref<16777216xf32, #tpu.memory_space<hbm>> -> memref<16384xf32, #tpu.memory_space<hbm>>
      tpu.enqueue_dma source(%dma_start3A_32 : memref<16384xf32, #tpu.memory_space<hbm>>) target(%arg7 : memref<16384xf32, #tpu.memory_space<vmem>>) target_semaphore(%arg13 : memref<!tpu.dma_semaphore, #tpu.memory_space<semaphore_mem>>)
      %add3A_33 = arith.addi %mul3A_2, %mul3A_25 : i32
      %mul3A_34 = arith.constant 16384 : i32
      %mul3A_35 = arith.muli %add3A_33, %mul3A_34 : i32
      %dma_wait3A = tpu.memref_slice %arg2[%mul3A_35] : memref<16777216xf32, #tpu.memory_space<hbm>> -> memref<16384xf32, #tpu.memory_space<hbm>>
      %dma_wait3A_36 = tpu.memref_slice %arg2[%mul3A_35] : memref<16777216xf32, #tpu.memory_space<hbm>> -> memref<16384xf32, #tpu.memory_space<hbm>>
      tpu.wait_dma2 semaphore(%arg12 : memref<!tpu.dma_semaphore, #tpu.memory_space<semaphore_mem>>) src(%dma_wait3A_36 : memref<16384xf32, #tpu.memory_space<hbm>>) dst(%arg6 : memref<16384xf32, #tpu.memory_space<vmem>>)
      %broadcast_in_dim3A_37 = arith.constant 0.009765625 : f32
      %broadcast_in_dim3A_38 = vector.broadcast %broadcast_in_dim3A_37 : f32 to vector<16xf32>
      %scan3A_39 = arith.constant 0 : i32
      %scan3A_40 = arith.constant 128 : i32
      %scan3A_41 = arith.addi %scan3A_39, %scan3A_40 : i32
      %scan3A_42 = arith.constant 1 : i32
      %scan3A_43 = scf.for %scan3A_225 = %scan3A_39 to %scan3A_41 step %scan3A_42 iter_args(%scan3A_226 = %broadcast_in_dim3A_7) -> (vector<16xi32>)  : i32 {
        %mul3A_227 = arith.constant 8 : i32
        %mul3A_228 = arith.muli %scan3A_225, %mul3A_227 : i32
        %add3A_229 = arith.constant 0 : i32
        %add3A_230 = arith.addi %mul3A_228, %add3A_229 : i32
        %mul3A_231 = arith.constant 16 : i32
        %mul3A_232 = arith.muli %add3A_230, %mul3A_231 : i32
        %get3A_233 = arith.index_cast %mul3A_232 : i32 to index
        %get3A_234 = tpu.vector_load %arg6[%get3A_233] {strides = array<i32>} : memref<16384xf32, #tpu.memory_space<vmem>>, vector<16xf32>,
        %add3A_235 = arith.constant 1 : i32
        %add3A_236 = arith.addi %mul3A_228, %add3A_235 : i32
        %mul3A_237 = arith.constant 16 : i32
        %mul3A_238 = arith.muli %add3A_236, %mul3A_237 : i32
        %get3A_239 = arith.index_cast %mul3A_238 : i32 to index
        %get3A_240 = tpu.vector_load %arg6[%get3A_239] {strides = array<i32>} : memref<16384xf32, #tpu.memory_space<vmem>>, vector<16xf32>,
        %add3A_241 = arith.constant 2 : i32
        %add3A_242 = arith.addi %mul3A_228, %add3A_241 : i32
        %mul3A_243 = arith.constant 16 : i32
        %mul3A_244 = arith.muli %add3A_242, %mul3A_243 : i32
        %get3A_245 = arith.index_cast %mul3A_244 : i32 to index
        %get3A_246 = tpu.vector_load %arg6[%get3A_245] {strides = array<i32>} : memref<16384xf32, #tpu.memory_space<vmem>>, vector<16xf32>,
        %add3A_247 = arith.constant 3 : i32
        %add3A_248 = arith.addi %mul3A_228, %add3A_247 : i32
        %mul3A_249 = arith.constant 16 : i32
        %mul3A_250 = arith.muli %add3A_248, %mul3A_249 : i32
        %get3A_251 = arith.index_cast %mul3A_250 : i32 to index
        %get3A_252 = tpu.vector_load %arg6[%get3A_251] {strides = array<i32>} : memref<16384xf32, #tpu.memory_space<vmem>>, vector<16xf32>,
        %add3A_253 = arith.constant 4 : i32
        %add3A_254 = arith.addi %mul3A_228, %add3A_253 : i32
        %mul3A_255 = arith.constant 16 : i32
        %mul3A_256 = arith.muli %add3A_254, %mul3A_255 : i32
        %get3A_257 = arith.index_cast %mul3A_256 : i32 to index
        %get3A_258 = tpu.vector_load %arg6[%get3A_257] {strides = array<i32>} : memref<16384xf32, #tpu.memory_space<vmem>>, vector<16xf32>,
        %add3A_259 = arith.constant 5 : i32
        %add3A_260 = arith.addi %mul3A_228, %add3A_259 : i32
        %mul3A_261 = arith.constant 16 : i32
        %mul3A_262 = arith.muli %add3A_260, %mul3A_261 : i32
        %get3A_263 = arith.index_cast %mul3A_262 : i32 to index
        %get3A_264 = tpu.vector_load %arg6[%get3A_263] {strides = array<i32>} : memref<16384xf32, #tpu.memory_space<vmem>>, vector<16xf32>,
        %add3A_265 = arith.constant 6 : i32
        %add3A_266 = arith.addi %mul3A_228, %add3A_265 : i32
        %mul3A_267 = arith.constant 16 : i32
        %mul3A_268 = arith.muli %add3A_266, %mul3A_267 : i32
        %get3A_269 = arith.index_cast %mul3A_268 : i32 to index
        %get3A_270 = tpu.vector_load %arg6[%get3A_269] {strides = array<i32>} : memref<16384xf32, #tpu.memory_space<vmem>>, vector<16xf32>,
        %add3A_271 = arith.constant 7 : i32
        %add3A_272 = arith.addi %mul3A_228, %add3A_271 : i32
        %mul3A_273 = arith.constant 16 : i32
        %mul3A_274 = arith.muli %add3A_272, %mul3A_273 : i32
        %get3A_275 = arith.index_cast %mul3A_274 : i32 to index
        %get3A_276 = tpu.vector_load %arg6[%get3A_275] {strides = array<i32>} : memref<16384xf32, #tpu.memory_space<vmem>>, vector<16xf32>,
        %lt3A_277 = arith.cmpf olt, %get3A_234, %broadcast_in_dim3A_38 : vector<16xf32>
        %lt3A_278 = arith.cmpf olt, %get3A_240, %broadcast_in_dim3A_38 : vector<16xf32>
        %lt3A_279 = arith.cmpf olt, %get3A_246, %broadcast_in_dim3A_38 : vector<16xf32>
        %lt3A_280 = arith.cmpf olt, %get3A_252, %broadcast_in_dim3A_38 : vector<16xf32>
        %lt3A_281 = arith.cmpf olt, %get3A_258, %broadcast_in_dim3A_38 : vector<16xf32>
        %lt3A_282 = arith.cmpf olt, %get3A_264, %broadcast_in_dim3A_38 : vector<16xf32>
        %lt3A_283 = arith.cmpf olt, %get3A_270, %broadcast_in_dim3A_38 : vector<16xf32>
        %lt3A_284 = arith.cmpf olt, %get3A_276, %broadcast_in_dim3A_38 : vector<16xf32>
        %convert_element_type3A_285 = arith.extui %lt3A_277 : vector<16xi1> to vector<16xi32>
        %broadcast_in_dim3A_286 = arith.constant true
        %broadcast_in_dim3A_287 = vector.broadcast %broadcast_in_dim3A_286 : i1 to vector<16xi1>
        %masked_cumsum3A = tpu.scan <sum>, %convert_element_type3A_285 masked %broadcast_in_dim3A_287 : vector<16xi32>, vector<16xi1> -> vector<16xi32>
        %convert_element_type3A_288 = arith.extui %lt3A_278 : vector<16xi1> to vector<16xi32>
        %broadcast_in_dim3A_289 = arith.constant true
        %broadcast_in_dim3A_290 = vector.broadcast %broadcast_in_dim3A_289 : i1 to vector<16xi1>
        %masked_cumsum3A_291 = tpu.scan <sum>, %convert_element_type3A_288 masked %broadcast_in_dim3A_290 : vector<16xi32>, vector<16xi1> -> vector<16xi32>
        %convert_element_type3A_292 = arith.extui %lt3A_279 : vector<16xi1> to vector<16xi32>
        %broadcast_in_dim3A_293 = arith.constant true
        %broadcast_in_dim3A_294 = vector.broadcast %broadcast_in_dim3A_293 : i1 to vector<16xi1>
        %masked_cumsum3A_295 = tpu.scan <sum>, %convert_element_type3A_292 masked %broadcast_in_dim3A_294 : vector<16xi32>, vector<16xi1> -> vector<16xi32>
        %convert_element_type3A_296 = arith.extui %lt3A_280 : vector<16xi1> to vector<16xi32>
        %broadcast_in_dim3A_297 = arith.constant true
        %broadcast_in_dim3A_298 = vector.broadcast %broadcast_in_dim3A_297 : i1 to vector<16xi1>
        %masked_cumsum3A_299 = tpu.scan <sum>, %convert_element_type3A_296 masked %broadcast_in_dim3A_298 : vector<16xi32>, vector<16xi1> -> vector<16xi32>
        %convert_element_type3A_300 = arith.extui %lt3A_281 : vector<16xi1> to vector<16xi32>
        %broadcast_in_dim3A_301 = arith.constant true
        %broadcast_in_dim3A_302 = vector.broadcast %broadcast_in_dim3A_301 : i1 to vector<16xi1>
        %masked_cumsum3A_303 = tpu.scan <sum>, %convert_element_type3A_300 masked %broadcast_in_dim3A_302 : vector<16xi32>, vector<16xi1> -> vector<16xi32>
        %convert_element_type3A_304 = arith.extui %lt3A_282 : vector<16xi1> to vector<16xi32>
        %broadcast_in_dim3A_305 = arith.constant true
        %broadcast_in_dim3A_306 = vector.broadcast %broadcast_in_dim3A_305 : i1 to vector<16xi1>
        %masked_cumsum3A_307 = tpu.scan <sum>, %convert_element_type3A_304 masked %broadcast_in_dim3A_306 : vector<16xi32>, vector<16xi1> -> vector<16xi32>
        %convert_element_type3A_308 = arith.extui %lt3A_283 : vector<16xi1> to vector<16xi32>
        %broadcast_in_dim3A_309 = arith.constant true
        %broadcast_in_dim3A_310 = vector.broadcast %broadcast_in_dim3A_309 : i1 to vector<16xi1>
        %masked_cumsum3A_311 = tpu.scan <sum>, %convert_element_type3A_308 masked %broadcast_in_dim3A_310 : vector<16xi32>, vector<16xi1> -> vector<16xi32>
        %convert_element_type3A_312 = arith.extui %lt3A_284 : vector<16xi1> to vector<16xi32>
        %broadcast_in_dim3A_313 = arith.constant true
        %broadcast_in_dim3A_314 = vector.broadcast %broadcast_in_dim3A_313 : i1 to vector<16xi1>
        %masked_cumsum3A_315 = tpu.scan <sum>, %convert_element_type3A_312 masked %broadcast_in_dim3A_314 : vector<16xi32>, vector<16xi1> -> vector<16xi32>
        %all_reduce_population_count3A = tpu.all_reduce %lt3A_277 {dim = 0 : i64, kind = #tpu.reduction_kind<sum>} : vector<16xi1> -> vector<16xi32>
        %all_reduce_population_count3A_316 = tpu.all_reduce %lt3A_278 {dim = 0 : i64, kind = #tpu.reduction_kind<sum>} : vector<16xi1> -> vector<16xi32>
        %all_reduce_population_count3A_317 = tpu.all_reduce %lt3A_279 {dim = 0 : i64, kind = #tpu.reduction_kind<sum>} : vector<16xi1> -> vector<16xi32>
        %all_reduce_population_count3A_318 = tpu.all_reduce %lt3A_280 {dim = 0 : i64, kind = #tpu.reduction_kind<sum>} : vector<16xi1> -> vector<16xi32>
        %all_reduce_population_count3A_319 = tpu.all_reduce %lt3A_281 {dim = 0 : i64, kind = #tpu.reduction_kind<sum>} : vector<16xi1> -> vector<16xi32>
        %all_reduce_population_count3A_320 = tpu.all_reduce %lt3A_282 {dim = 0 : i64, kind = #tpu.reduction_kind<sum>} : vector<16xi1> -> vector<16xi32>
        %all_reduce_population_count3A_321 = tpu.all_reduce %lt3A_283 {dim = 0 : i64, kind = #tpu.reduction_kind<sum>} : vector<16xi1> -> vector<16xi32>
        %all_reduce_population_count3A_322 = tpu.all_reduce %lt3A_284 {dim = 0 : i64, kind = #tpu.reduction_kind<sum>} : vector<16xi1> -> vector<16xi32>
        %add3A_323 = arith.addi %scan3A_226, %all_reduce_population_count3A : vector<16xi32>
        %add3A_324 = arith.addi %add3A_323, %all_reduce_population_count3A_316 : vector<16xi32>
        %add3A_325 = arith.addi %add3A_324, %all_reduce_population_count3A_317 : vector<16xi32>
        %add3A_326 = arith.addi %add3A_325, %all_reduce_population_count3A_318 : vector<16xi32>
        %add3A_327 = arith.addi %add3A_326, %all_reduce_population_count3A_319 : vector<16xi32>
        %add3A_328 = arith.addi %add3A_327, %all_reduce_population_count3A_320 : vector<16xi32>
        %add3A_329 = arith.addi %add3A_328, %all_reduce_population_count3A_321 : vector<16xi32>
        %add3A_330 = arith.addi %add3A_329, %all_reduce_population_count3A_322 : vector<16xi32>
        %add3A_331 = arith.addi %scan3A_226, %masked_cumsum3A : vector<16xi32>
        %sub3A_332 = arith.constant 1 : i32
        %sub3A_333 = vector.broadcast %sub3A_332 : i32 to vector<16xi32>
        %sub3A_334 = arith.subi %add3A_331, %sub3A_333 : vector<16xi32>
        %add3A_335 = arith.constant 0 : i32
        %add3A_336 = arith.addi %mul3A_228, %add3A_335 : i32
        %mul3A_337 = arith.constant 16 : i32
        %mul3A_338 = arith.muli %add3A_336, %mul3A_337 : i32
        %add3A_339 = vector.broadcast %mul3A_338 : i32 to vector<16xi32>
        %add3A_340 = arith.addi %iota3A, %add3A_339 : vector<16xi32>
        tpu.vector_store_idx %arg8[%sub3A_334], %add3A_340 masked %lt3A_277 : memref<16384xi32, #tpu.memory_space<vmem>>[vector<16xi32>], vector<16xi32>, vector<16xi1>
        %add3A_341 = arith.addi %add3A_323, %masked_cumsum3A_291 : vector<16xi32>
        %sub3A_342 = arith.constant 1 : i32
        %sub3A_343 = vector.broadcast %sub3A_342 : i32 to vector<16xi32>
        %sub3A_344 = arith.subi %add3A_341, %sub3A_343 : vector<16xi32>
        %add3A_345 = arith.constant 1 : i32
        %add3A_346 = arith.addi %mul3A_228, %add3A_345 : i32
        %mul3A_347 = arith.constant 16 : i32
        %mul3A_348 = arith.muli %add3A_346, %mul3A_347 : i32
        %add3A_349 = vector.broadcast %mul3A_348 : i32 to vector<16xi32>
        %add3A_350 = arith.addi %iota3A, %add3A_349 : vector<16xi32>
        tpu.vector_store_idx %arg8[%sub3A_344], %add3A_350 masked %lt3A_278 : memref<16384xi32, #tpu.memory_space<vmem>>[vector<16xi32>], vector<16xi32>, vector<16xi1>
        %add3A_351 = arith.addi %add3A_324, %masked_cumsum3A_295 : vector<16xi32>
        %sub3A_352 = arith.constant 1 : i32
        %sub3A_353 = vector.broadcast %sub3A_352 : i32 to vector<16xi32>
        %sub3A_354 = arith.subi %add3A_351, %sub3A_353 : vector<16xi32>
        %add3A_355 = arith.constant 2 : i32
        %add3A_356 = arith.addi %mul3A_228, %add3A_355 : i32
        %mul3A_357 = arith.constant 16 : i32
        %mul3A_358 = arith.muli %add3A_356, %mul3A_357 : i32
        %add3A_359 = vector.broadcast %mul3A_358 : i32 to vector<16xi32>
        %add3A_360 = arith.addi %iota3A, %add3A_359 : vector<16xi32>
        tpu.vector_store_idx %arg8[%sub3A_354], %add3A_360 masked %lt3A_279 : memref<16384xi32, #tpu.memory_space<vmem>>[vector<16xi32>], vector<16xi32>, vector<16xi1>
        %add3A_361 = arith.addi %add3A_325, %masked_cumsum3A_299 : vector<16xi32>
        %sub3A_362 = arith.constant 1 : i32
        %sub3A_363 = vector.broadcast %sub3A_362 : i32 to vector<16xi32>
        %sub3A_364 = arith.subi %add3A_361, %sub3A_363 : vector<16xi32>
        %add3A_365 = arith.constant 3 : i32
        %add3A_366 = arith.addi %mul3A_228, %add3A_365 : i32
        %mul3A_367 = arith.constant 16 : i32
        %mul3A_368 = arith.muli %add3A_366, %mul3A_367 : i32
        %add3A_369 = vector.broadcast %mul3A_368 : i32 to vector<16xi32>
        %add3A_370 = arith.addi %iota3A, %add3A_369 : vector<16xi32>
        tpu.vector_store_idx %arg8[%sub3A_364], %add3A_370 masked %lt3A_280 : memref<16384xi32, #tpu.memory_space<vmem>>[vector<16xi32>], vector<16xi32>, vector<16xi1>
        %add3A_371 = arith.addi %add3A_326, %masked_cumsum3A_303 : vector<16xi32>
        %sub3A_372 = arith.constant 1 : i32
        %sub3A_373 = vector.broadcast %sub3A_372 : i32 to vector<16xi32>
        %sub3A_374 = arith.subi %add3A_371, %sub3A_373 : vector<16xi32>
        %add3A_375 = arith.constant 4 : i32
        %add3A_376 = arith.addi %mul3A_228, %add3A_375 : i32
        %mul3A_377 = arith.constant 16 : i32
        %mul3A_378 = arith.muli %add3A_376, %mul3A_377 : i32
        %add3A_379 = vector.broadcast %mul3A_378 : i32 to vector<16xi32>
        %add3A_380 = arith.addi %iota3A, %add3A_379 : vector<16xi32>
        tpu.vector_store_idx %arg8[%sub3A_374], %add3A_380 masked %lt3A_281 : memref<16384xi32, #tpu.memory_space<vmem>>[vector<16xi32>], vector<16xi32>, vector<16xi1>
        %add3A_381 = arith.addi %add3A_327, %masked_cumsum3A_307 : vector<16xi32>
        %sub3A_382 = arith.constant 1 : i32
        %sub3A_383 = vector.broadcast %sub3A_382 : i32 to vector<16xi32>
        %sub3A_384 = arith.subi %add3A_381, %sub3A_383 : vector<16xi32>
        %add3A_385 = arith.constant 5 : i32
        %add3A_386 = arith.addi %mul3A_228, %add3A_385 : i32
        %mul3A_387 = arith.constant 16 : i32
        %mul3A_388 = arith.muli %add3A_386, %mul3A_387 : i32
        %add3A_389 = vector.broadcast %mul3A_388 : i32 to vector<16xi32>
        %add3A_390 = arith.addi %iota3A, %add3A_389 : vector<16xi32>
        tpu.vector_store_idx %arg8[%sub3A_384], %add3A_390 masked %lt3A_282 : memref<16384xi32, #tpu.memory_space<vmem>>[vector<16xi32>], vector<16xi32>, vector<16xi1>
        %add3A_391 = arith.addi %add3A_328, %masked_cumsum3A_311 : vector<16xi32>
        %sub3A_392 = arith.constant 1 : i32
        %sub3A_393 = vector.broadcast %sub3A_392 : i32 to vector<16xi32>
        %sub3A_394 = arith.subi %add3A_391, %sub3A_393 : vector<16xi32>
        %add3A_395 = arith.constant 6 : i32
        %add3A_396 = arith.addi %mul3A_228, %add3A_395 : i32
        %mul3A_397 = arith.constant 16 : i32
        %mul3A_398 = arith.muli %add3A_396, %mul3A_397 : i32
        %add3A_399 = vector.broadcast %mul3A_398 : i32 to vector<16xi32>
        %add3A_400 = arith.addi %iota3A, %add3A_399 : vector<16xi32>
        tpu.vector_store_idx %arg8[%sub3A_394], %add3A_400 masked %lt3A_283 : memref<16384xi32, #tpu.memory_space<vmem>>[vector<16xi32>], vector<16xi32>, vector<16xi1>
        %add3A_401 = arith.addi %add3A_329, %masked_cumsum3A_315 : vector<16xi32>
        %sub3A_402 = arith.constant 1 : i32
        %sub3A_403 = vector.broadcast %sub3A_402 : i32 to vector<16xi32>
        %sub3A_404 = arith.subi %add3A_401, %sub3A_403 : vector<16xi32>
        %add3A_405 = arith.constant 7 : i32
        %add3A_406 = arith.addi %mul3A_228, %add3A_405 : i32
        %mul3A_407 = arith.constant 16 : i32
        %mul3A_408 = arith.muli %add3A_406, %mul3A_407 : i32
        %add3A_409 = vector.broadcast %mul3A_408 : i32 to vector<16xi32>
        %add3A_410 = arith.addi %iota3A, %add3A_409 : vector<16xi32>
        tpu.vector_store_idx %arg8[%sub3A_404], %add3A_410 masked %lt3A_284 : memref<16384xi32, #tpu.memory_space<vmem>>[vector<16xi32>], vector<16xi32>, vector<16xi1>
        scf.yield %add3A_330 : vector<16xi32>
      }
      %scan3A_44 = arith.constant 128 : i32
      %reduce_max3A = arith.constant true
      %reduce_max3A_45 = vector.broadcast %reduce_max3A : i1 to vector<16xi1>
      %reduce_max3A_46 = arith.constant -2147483648 : i32
      %reduce_max3A_47 = vector.broadcast %reduce_max3A_46 : i32 to vector<16xi32>
      %reduce_max3A_48 = arith.xori %scan3A_43, %reduce_max3A_47 : vector<16xi32>
      %reduce_max3A_49 = tpu.scan <max>, %reduce_max3A_48 masked %reduce_max3A_45 : vector<16xi32>, vector<16xi1> -> vector<16xi32>
      %reduce_max3A_50 = arith.xori %reduce_max3A_49, %reduce_max3A_47 : vector<16xi32>
      %reduce_max3A_51 = vector.extract %reduce_max3A_50[15] : i32 from vector<16xi32>
      %lt3A = arith.constant 64 : i32
      %lt3A_52 = arith.cmpi slt, %reduce_max3A_51, %lt3A : i32
      %convert_element_type3A = arith.extui %lt3A_52 : i1 to i32
      %cond3A = arith.constant 0 : i32
      %cond3A_53 = arith.cmpi ne, %convert_element_type3A, %cond3A : i32
      scf.if %cond3A_53 {
        %broadcast_in_dim3A_225 = arith.constant 0x7F800000 : f32
        %broadcast_in_dim3A_226 = vector.broadcast %broadcast_in_dim3A_225 : f32 to vector<16xf32>
        %scan3A_227 = arith.constant 0 : i32
        %scan3A_228 = arith.constant 128 : i32
        %scan3A_229 = arith.addi %scan3A_227, %scan3A_228 : i32
        %scan3A_230 = arith.constant 1 : i32
        %scan3A_231 = scf.for %scan3A_233 = %scan3A_227 to %scan3A_229 step %scan3A_230 iter_args(%scan3A_234 = %broadcast_in_dim3A_7) -> (vector<16xi32>)  : i32 {
          %mul3A_235 = arith.constant 8 : i32
          %mul3A_236 = arith.muli %scan3A_233, %mul3A_235 : i32
          %add3A_237 = arith.constant 0 : i32
          %add3A_238 = arith.addi %mul3A_236, %add3A_237 : i32
          %mul3A_239 = arith.constant 16 : i32
          %mul3A_240 = arith.muli %add3A_238, %mul3A_239 : i32
          %get3A_241 = arith.index_cast %mul3A_240 : i32 to index
          %get3A_242 = tpu.vector_load %arg6[%get3A_241] {strides = array<i32>} : memref<16384xf32, #tpu.memory_space<vmem>>, vector<16xf32>,
          %add3A_243 = arith.constant 1 : i32
          %add3A_244 = arith.addi %mul3A_236, %add3A_243 : i32
          %mul3A_245 = arith.constant 16 : i32
          %mul3A_246 = arith.muli %add3A_244, %mul3A_245 : i32
          %get3A_247 = arith.index_cast %mul3A_246 : i32 to index
          %get3A_248 = tpu.vector_load %arg6[%get3A_247] {strides = array<i32>} : memref<16384xf32, #tpu.memory_space<vmem>>, vector<16xf32>,
          %add3A_249 = arith.constant 2 : i32
          %add3A_250 = arith.addi %mul3A_236, %add3A_249 : i32
          %mul3A_251 = arith.constant 16 : i32
          %mul3A_252 = arith.muli %add3A_250, %mul3A_251 : i32
          %get3A_253 = arith.index_cast %mul3A_252 : i32 to index
          %get3A_254 = tpu.vector_load %arg6[%get3A_253] {strides = array<i32>} : memref<16384xf32, #tpu.memory_space<vmem>>, vector<16xf32>,
          %add3A_255 = arith.constant 3 : i32
          %add3A_256 = arith.addi %mul3A_236, %add3A_255 : i32
          %mul3A_257 = arith.constant 16 : i32
          %mul3A_258 = arith.muli %add3A_256, %mul3A_257 : i32
          %get3A_259 = arith.index_cast %mul3A_258 : i32 to index
          %get3A_260 = tpu.vector_load %arg6[%get3A_259] {strides = array<i32>} : memref<16384xf32, #tpu.memory_space<vmem>>, vector<16xf32>,
          %add3A_261 = arith.constant 4 : i32
          %add3A_262 = arith.addi %mul3A_236, %add3A_261 : i32
          %mul3A_263 = arith.constant 16 : i32
          %mul3A_264 = arith.muli %add3A_262, %mul3A_263 : i32
          %get3A_265 = arith.index_cast %mul3A_264 : i32 to index
          %get3A_266 = tpu.vector_load %arg6[%get3A_265] {strides = array<i32>} : memref<16384xf32, #tpu.memory_space<vmem>>, vector<16xf32>,
          %add3A_267 = arith.constant 5 : i32
          %add3A_268 = arith.addi %mul3A_236, %add3A_267 : i32
          %mul3A_269 = arith.constant 16 : i32
          %mul3A_270 = arith.muli %add3A_268, %mul3A_269 : i32
          %get3A_271 = arith.index_cast %mul3A_270 : i32 to index
          %get3A_272 = tpu.vector_load %arg6[%get3A_271] {strides = array<i32>} : memref<16384xf32, #tpu.memory_space<vmem>>, vector<16xf32>,
          %add3A_273 = arith.constant 6 : i32
          %add3A_274 = arith.addi %mul3A_236, %add3A_273 : i32
          %mul3A_275 = arith.constant 16 : i32
          %mul3A_276 = arith.muli %add3A_274, %mul3A_275 : i32
          %get3A_277 = arith.index_cast %mul3A_276 : i32 to index
          %get3A_278 = tpu.vector_load %arg6[%get3A_277] {strides = array<i32>} : memref<16384xf32, #tpu.memory_space<vmem>>, vector<16xf32>,
          %add3A_279 = arith.constant 7 : i32
          %add3A_280 = arith.addi %mul3A_236, %add3A_279 : i32
          %mul3A_281 = arith.constant 16 : i32
          %mul3A_282 = arith.muli %add3A_280, %mul3A_281 : i32
          %get3A_283 = arith.index_cast %mul3A_282 : i32 to index
          %get3A_284 = tpu.vector_load %arg6[%get3A_283] {strides = array<i32>} : memref<16384xf32, #tpu.memory_space<vmem>>, vector<16xf32>,
          %lt3A_285 = arith.cmpf olt, %get3A_242, %broadcast_in_dim3A_226 : vector<16xf32>
          %lt3A_286 = arith.cmpf olt, %get3A_248, %broadcast_in_dim3A_226 : vector<16xf32>
          %lt3A_287 = arith.cmpf olt, %get3A_254, %broadcast_in_dim3A_226 : vector<16xf32>
          %lt3A_288 = arith.cmpf olt, %get3A_260, %broadcast_in_dim3A_226 : vector<16xf32>
          %lt3A_289 = arith.cmpf olt, %get3A_266, %broadcast_in_dim3A_226 : vector<16xf32>
          %lt3A_290 = arith.cmpf olt, %get3A_272, %broadcast_in_dim3A_226 : vector<16xf32>
          %lt3A_291 = arith.cmpf olt, %get3A_278, %broadcast_in_dim3A_226 : vector<16xf32>
          %lt3A_292 = arith.cmpf olt, %get3A_284, %broadcast_in_dim3A_226 : vector<16xf32>
          %convert_element_type3A_293 = arith.extui %lt3A_285 : vector<16xi1> to vector<16xi32>
          %broadcast_in_dim3A_294 = arith.constant true
          %broadcast_in_dim3A_295 = vector.broadcast %broadcast_in_dim3A_294 : i1 to vector<16xi1>
          %masked_cumsum3A = tpu.scan <sum>, %convert_element_type3A_293 masked %broadcast_in_dim3A_295 : vector<16xi32>, vector<16xi1> -> vector<16xi32>
          %convert_element_type3A_296 = arith.extui %lt3A_286 : vector<16xi1> to vector<16xi32>
          %broadcast_in_dim3A_297 = arith.constant true
          %broadcast_in_dim3A_298 = vector.broadcast %broadcast_in_dim3A_297 : i1 to vector<16xi1>
          %masked_cumsum3A_299 = tpu.scan <sum>, %convert_element_type3A_296 masked %broadcast_in_dim3A_298 : vector<16xi32>, vector<16xi1> -> vector<16xi32>
          %convert_element_type3A_300 = arith.extui %lt3A_287 : vector<16xi1> to vector<16xi32>
          %broadcast_in_dim3A_301 = arith.constant true
          %broadcast_in_dim3A_302 = vector.broadcast %broadcast_in_dim3A_301 : i1 to vector<16xi1>
          %masked_cumsum3A_303 = tpu.scan <sum>, %convert_element_type3A_300 masked %broadcast_in_dim3A_302 : vector<16xi32>, vector<16xi1> -> vector<16xi32>
          %convert_element_type3A_304 = arith.extui %lt3A_288 : vector<16xi1> to vector<16xi32>
          %broadcast_in_dim3A_305 = arith.constant true
          %broadcast_in_dim3A_306 = vector.broadcast %broadcast_in_dim3A_305 : i1 to vector<16xi1>
          %masked_cumsum3A_307 = tpu.scan <sum>, %convert_element_type3A_304 masked %broadcast_in_dim3A_306 : vector<16xi32>, vector<16xi1> -> vector<16xi32>
          %convert_element_type3A_308 = arith.extui %lt3A_289 : vector<16xi1> to vector<16xi32>
          %broadcast_in_dim3A_309 = arith.constant true
          %broadcast_in_dim3A_310 = vector.broadcast %broadcast_in_dim3A_309 : i1 to vector<16xi1>
          %masked_cumsum3A_311 = tpu.scan <sum>, %convert_element_type3A_308 masked %broadcast_in_dim3A_310 : vector<16xi32>, vector<16xi1> -> vector<16xi32>
          %convert_element_type3A_312 = arith.extui %lt3A_290 : vector<16xi1> to vector<16xi32>
          %broadcast_in_dim3A_313 = arith.constant true
          %broadcast_in_dim3A_314 = vector.broadcast %broadcast_in_dim3A_313 : i1 to vector<16xi1>
          %masked_cumsum3A_315 = tpu.scan <sum>, %convert_element_type3A_312 masked %broadcast_in_dim3A_314 : vector<16xi32>, vector<16xi1> -> vector<16xi32>
          %convert_element_type3A_316 = arith.extui %lt3A_291 : vector<16xi1> to vector<16xi32>
          %broadcast_in_dim3A_317 = arith.constant true
          %broadcast_in_dim3A_318 = vector.broadcast %broadcast_in_dim3A_317 : i1 to vector<16xi1>
          %masked_cumsum3A_319 = tpu.scan <sum>, %convert_element_type3A_316 masked %broadcast_in_dim3A_318 : vector<16xi32>, vector<16xi1> -> vector<16xi32>
          %convert_element_type3A_320 = arith.extui %lt3A_292 : vector<16xi1> to vector<16xi32>
          %broadcast_in_dim3A_321 = arith.constant true
          %broadcast_in_dim3A_322 = vector.broadcast %broadcast_in_dim3A_321 : i1 to vector<16xi1>
          %masked_cumsum3A_323 = tpu.scan <sum>, %convert_element_type3A_320 masked %broadcast_in_dim3A_322 : vector<16xi32>, vector<16xi1> -> vector<16xi32>
          %all_reduce_population_count3A = tpu.all_reduce %lt3A_285 {dim = 0 : i64, kind = #tpu.reduction_kind<sum>} : vector<16xi1> -> vector<16xi32>
          %all_reduce_population_count3A_324 = tpu.all_reduce %lt3A_286 {dim = 0 : i64, kind = #tpu.reduction_kind<sum>} : vector<16xi1> -> vector<16xi32>
          %all_reduce_population_count3A_325 = tpu.all_reduce %lt3A_287 {dim = 0 : i64, kind = #tpu.reduction_kind<sum>} : vector<16xi1> -> vector<16xi32>
          %all_reduce_population_count3A_326 = tpu.all_reduce %lt3A_288 {dim = 0 : i64, kind = #tpu.reduction_kind<sum>} : vector<16xi1> -> vector<16xi32>
          %all_reduce_population_count3A_327 = tpu.all_reduce %lt3A_289 {dim = 0 : i64, kind = #tpu.reduction_kind<sum>} : vector<16xi1> -> vector<16xi32>
          %all_reduce_population_count3A_328 = tpu.all_reduce %lt3A_290 {dim = 0 : i64, kind = #tpu.reduction_kind<sum>} : vector<16xi1> -> vector<16xi32>
          %all_reduce_population_count3A_329 = tpu.all_reduce %lt3A_291 {dim = 0 : i64, kind = #tpu.reduction_kind<sum>} : vector<16xi1> -> vector<16xi32>
          %all_reduce_population_count3A_330 = tpu.all_reduce %lt3A_292 {dim = 0 : i64, kind = #tpu.reduction_kind<sum>} : vector<16xi1> -> vector<16xi32>
          %add3A_331 = arith.addi %scan3A_234, %all_reduce_population_count3A : vector<16xi32>
          %add3A_332 = arith.addi %add3A_331, %all_reduce_population_count3A_324 : vector<16xi32>
          %add3A_333 = arith.addi %add3A_332, %all_reduce_population_count3A_325 : vector<16xi32>
          %add3A_334 = arith.addi %add3A_333, %all_reduce_population_count3A_326 : vector<16xi32>
          %add3A_335 = arith.addi %add3A_334, %all_reduce_population_count3A_327 : vector<16xi32>
          %add3A_336 = arith.addi %add3A_335, %all_reduce_population_count3A_328 : vector<16xi32>
          %add3A_337 = arith.addi %add3A_336, %all_reduce_population_count3A_329 : vector<16xi32>
          %add3A_338 = arith.addi %add3A_337, %all_reduce_population_count3A_330 : vector<16xi32>
          %add3A_339 = arith.addi %scan3A_234, %masked_cumsum3A : vector<16xi32>
          %sub3A_340 = arith.constant 1 : i32
          %sub3A_341 = vector.broadcast %sub3A_340 : i32 to vector<16xi32>
          %sub3A_342 = arith.subi %add3A_339, %sub3A_341 : vector<16xi32>
          %add3A_343 = arith.constant 0 : i32
          %add3A_344 = arith.addi %mul3A_236, %add3A_343 : i32
          %mul3A_345 = arith.constant 16 : i32
          %mul3A_346 = arith.muli %add3A_344, %mul3A_345 : i32
          %add3A_347 = vector.broadcast %mul3A_346 : i32 to vector<16xi32>
          %add3A_348 = arith.addi %iota3A, %add3A_347 : vector<16xi32>
          tpu.vector_store_idx %arg8[%sub3A_342], %add3A_348 masked %lt3A_285 : memref<16384xi32, #tpu.memory_space<vmem>>[vector<16xi32>], vector<16xi32>, vector<16xi1>
          %add3A_349 = arith.addi %add3A_331, %masked_cumsum3A_299 : vector<16xi32>
          %sub3A_350 = arith.constant 1 : i32
          %sub3A_351 = vector.broadcast %sub3A_350 : i32 to vector<16xi32>
          %sub3A_352 = arith.subi %add3A_349, %sub3A_351 : vector<16xi32>
          %add3A_353 = arith.constant 1 : i32
          %add3A_354 = arith.addi %mul3A_236, %add3A_353 : i32
          %mul3A_355 = arith.constant 16 : i32
          %mul3A_356 = arith.muli %add3A_354, %mul3A_355 : i32
          %add3A_357 = vector.broadcast %mul3A_356 : i32 to vector<16xi32>
          %add3A_358 = arith.addi %iota3A, %add3A_357 : vector<16xi32>
          tpu.vector_store_idx %arg8[%sub3A_352], %add3A_358 masked %lt3A_286 : memref<16384xi32, #tpu.memory_space<vmem>>[vector<16xi32>], vector<16xi32>, vector<16xi1>
          %add3A_359 = arith.addi %add3A_332, %masked_cumsum3A_303 : vector<16xi32>
          %sub3A_360 = arith.constant 1 : i32
          %sub3A_361 = vector.broadcast %sub3A_360 : i32 to vector<16xi32>
          %sub3A_362 = arith.subi %add3A_359, %sub3A_361 : vector<16xi32>
          %add3A_363 = arith.constant 2 : i32
          %add3A_364 = arith.addi %mul3A_236, %add3A_363 : i32
          %mul3A_365 = arith.constant 16 : i32
          %mul3A_366 = arith.muli %add3A_364, %mul3A_365 : i32
          %add3A_367 = vector.broadcast %mul3A_366 : i32 to vector<16xi32>
          %add3A_368 = arith.addi %iota3A, %add3A_367 : vector<16xi32>
          tpu.vector_store_idx %arg8[%sub3A_362], %add3A_368 masked %lt3A_287 : memref<16384xi32, #tpu.memory_space<vmem>>[vector<16xi32>], vector<16xi32>, vector<16xi1>
          %add3A_369 = arith.addi %add3A_333, %masked_cumsum3A_307 : vector<16xi32>
          %sub3A_370 = arith.constant 1 : i32
          %sub3A_371 = vector.broadcast %sub3A_370 : i32 to vector<16xi32>
          %sub3A_372 = arith.subi %add3A_369, %sub3A_371 : vector<16xi32>
          %add3A_373 = arith.constant 3 : i32
          %add3A_374 = arith.addi %mul3A_236, %add3A_373 : i32
          %mul3A_375 = arith.constant 16 : i32
          %mul3A_376 = arith.muli %add3A_374, %mul3A_375 : i32
          %add3A_377 = vector.broadcast %mul3A_376 : i32 to vector<16xi32>
          %add3A_378 = arith.addi %iota3A, %add3A_377 : vector<16xi32>
          tpu.vector_store_idx %arg8[%sub3A_372], %add3A_378 masked %lt3A_288 : memref<16384xi32, #tpu.memory_space<vmem>>[vector<16xi32>], vector<16xi32>, vector<16xi1>
          %add3A_379 = arith.addi %add3A_334, %masked_cumsum3A_311 : vector<16xi32>
          %sub3A_380 = arith.constant 1 : i32
          %sub3A_381 = vector.broadcast %sub3A_380 : i32 to vector<16xi32>
          %sub3A_382 = arith.subi %add3A_379, %sub3A_381 : vector<16xi32>
          %add3A_383 = arith.constant 4 : i32
          %add3A_384 = arith.addi %mul3A_236, %add3A_383 : i32
          %mul3A_385 = arith.constant 16 : i32
          %mul3A_386 = arith.muli %add3A_384, %mul3A_385 : i32
          %add3A_387 = vector.broadcast %mul3A_386 : i32 to vector<16xi32>
          %add3A_388 = arith.addi %iota3A, %add3A_387 : vector<16xi32>
          tpu.vector_store_idx %arg8[%sub3A_382], %add3A_388 masked %lt3A_289 : memref<16384xi32, #tpu.memory_space<vmem>>[vector<16xi32>], vector<16xi32>, vector<16xi1>
          %add3A_389 = arith.addi %add3A_335, %masked_cumsum3A_315 : vector<16xi32>
          %sub3A_390 = arith.constant 1 : i32
          %sub3A_391 = vector.broadcast %sub3A_390 : i32 to vector<16xi32>
          %sub3A_392 = arith.subi %add3A_389, %sub3A_391 : vector<16xi32>
          %add3A_393 = arith.constant 5 : i32
          %add3A_394 = arith.addi %mul3A_236, %add3A_393 : i32
          %mul3A_395 = arith.constant 16 : i32
          %mul3A_396 = arith.muli %add3A_394, %mul3A_395 : i32
          %add3A_397 = vector.broadcast %mul3A_396 : i32 to vector<16xi32>
          %add3A_398 = arith.addi %iota3A, %add3A_397 : vector<16xi32>
          tpu.vector_store_idx %arg8[%sub3A_392], %add3A_398 masked %lt3A_290 : memref<16384xi32, #tpu.memory_space<vmem>>[vector<16xi32>], vector<16xi32>, vector<16xi1>
          %add3A_399 = arith.addi %add3A_336, %masked_cumsum3A_319 : vector<16xi32>
          %sub3A_400 = arith.constant 1 : i32
          %sub3A_401 = vector.broadcast %sub3A_400 : i32 to vector<16xi32>
          %sub3A_402 = arith.subi %add3A_399, %sub3A_401 : vector<16xi32>
          %add3A_403 = arith.constant 6 : i32
          %add3A_404 = arith.addi %mul3A_236, %add3A_403 : i32
          %mul3A_405 = arith.constant 16 : i32
          %mul3A_406 = arith.muli %add3A_404, %mul3A_405 : i32
          %add3A_407 = vector.broadcast %mul3A_406 : i32 to vector<16xi32>
          %add3A_408 = arith.addi %iota3A, %add3A_407 : vector<16xi32>
          tpu.vector_store_idx %arg8[%sub3A_402], %add3A_408 masked %lt3A_291 : memref<16384xi32, #tpu.memory_space<vmem>>[vector<16xi32>], vector<16xi32>, vector<16xi1>
          %add3A_409 = arith.addi %add3A_337, %masked_cumsum3A_323 : vector<16xi32>
          %sub3A_410 = arith.constant 1 : i32
          %sub3A_411 = vector.broadcast %sub3A_410 : i32 to vector<16xi32>
          %sub3A_412 = arith.subi %add3A_409, %sub3A_411 : vector<16xi32>
          %add3A_413 = arith.constant 7 : i32
          %add3A_414 = arith.addi %mul3A_236, %add3A_413 : i32
          %mul3A_415 = arith.constant 16 : i32
          %mul3A_416 = arith.muli %add3A_414, %mul3A_415 : i32
          %add3A_417 = vector.broadcast %mul3A_416 : i32 to vector<16xi32>
          %add3A_418 = arith.addi %iota3A, %add3A_417 : vector<16xi32>
          tpu.vector_store_idx %arg8[%sub3A_412], %add3A_418 masked %lt3A_292 : memref<16384xi32, #tpu.memory_space<vmem>>[vector<16xi32>], vector<16xi32>, vector<16xi1>
          scf.yield %add3A_338 : vector<16xi32>
        }
        %scan3A_232 = arith.constant 128 : i32
      } else {
      }
      %lt3A_54 = arith.constant 64 : i32
      %lt3A_55 = arith.cmpi slt, %reduce_max3A_51, %lt3A_54 : i32
      %jit3A = arith.constant 16384 : i32
      %select_n3A = arith.select %lt3A_55, %jit3A, %reduce_max3A_51 : i32
      %add3A_56 = arith.constant 16 : i32
      %add3A_57 = arith.addi %select_n3A, %add3A_56 : i32
      %sub3A = arith.constant 1 : i32
      %sub3A_58 = arith.subi %add3A_57, %sub3A : i32
      %shift_right_arithmetic3A = arith.constant 4 : i32
      %shift_right_arithmetic3A_59 = arith.shrsi %sub3A_58, %shift_right_arithmetic3A : i32
      %broadcast_in_dim3A_60 = arith.constant 2139095039 : i32
      %broadcast_in_dim3A_61 = vector.broadcast %broadcast_in_dim3A_60 : i32 to vector<16xi32>
      %scan3A_62 = arith.constant 0 : i32
      %scan3A_63 = arith.constant 31 : i32
      %scan3A_64 = arith.addi %scan3A_62, %scan3A_63 : i32
      %scan3A_65 = arith.constant 1 : i32
      %scan3A_66:2 = scf.for %scan3A_225 = %scan3A_62 to %scan3A_64 step %scan3A_65 iter_args(%scan3A_226 = %broadcast_in_dim3A_7, %scan3A_227 = %broadcast_in_dim3A_61) -> (vector<16xi32>, vector<16xi32>)  : i32 {
        %sub3A_228 = arith.subi %scan3A_227, %scan3A_226 : vector<16xi32>
        %shift_right_arithmetic3A_229 = arith.constant 1 : i32
        %shift_right_arithmetic3A_230 = vector.broadcast %shift_right_arithmetic3A_229 : i32 to vector<16xi32>
        %shift_right_arithmetic3A_231 = arith.shrsi %sub3A_228, %shift_right_arithmetic3A_230 : vector<16xi32>
        %add3A_232 = arith.addi %scan3A_226, %shift_right_arithmetic3A_231 : vector<16xi32>
        %while3A_233 = arith.constant 0 : i32
        %while3A_234 = arith.subi %shift_right_arithmetic3A_59, %while3A_233 : i32
        %while3A_235 = arith.addi %while3A_233, %while3A_234 : i32
        %while3A_236 = arith.constant 1 : i32
        %while3A_237 = arith.divsi %while3A_234, %while3A_236 : i32
        %while3A_238 = arith.muli %while3A_237, %while3A_236 : i32
        %while3A_239 = arith.addi %while3A_233, %while3A_238 : i32
        %while3A_240 = arith.constant 1 : i32
        %while3A_241 = scf.for %while3A_251 = %while3A_233 to %while3A_239 step %while3A_240 iter_args(%while3A_252 = %broadcast_in_dim3A_7) -> (vector<16xi32>)  : i32 {
          %mul3A_253 = arith.constant 16 : i32
          %mul3A_254 = arith.muli %while3A_251, %mul3A_253 : i32
          %add3A_255 = vector.broadcast %mul3A_254 : i32 to vector<16xi32>
          %add3A_256 = arith.addi %iota3A, %add3A_255 : vector<16xi32>
          %lt3A_257 = vector.broadcast %select_n3A : i32 to vector<16xi32>
          %lt3A_258 = arith.cmpi slt, %add3A_256, %lt3A_257 : vector<16xi32>
          %mul3A_259 = arith.constant 16 : i32
          %mul3A_260 = arith.muli %while3A_251, %mul3A_259 : i32
          %get3A_261 = arith.index_cast %mul3A_260 : i32 to index
          %get3A_262 = tpu.vector_load %arg8[%get3A_261] {strides = array<i32>} : memref<16384xi32, #tpu.memory_space<vmem>>, vector<16xi32>,
          %gather3A = tpu.vector_load_idx %arg6[%get3A_262] masked %lt3A_258 : memref<16384xf32, #tpu.memory_space<vmem>>[vector<16xi32>], vector<16xf32>, vector<16xi1>
          %bitcast3A = vector.bitcast %gather3A : vector<16xf32> to vector<16xi32>
          %le3A = arith.cmpi sle, %bitcast3A, %add3A_232 : vector<16xi32>
          %and3A_263 = arith.andi %lt3A_258, %le3A : vector<16xi1>
          %all_reduce_population_count3A = tpu.all_reduce %and3A_263 {dim = 0 : i64, kind = #tpu.reduction_kind<sum>} : vector<16xi1> -> vector<16xi32>
          %add3A_264 = arith.addi %while3A_252, %all_reduce_population_count3A : vector<16xi32>
          scf.yield %add3A_264 : vector<16xi32>
        }
        %while3A_242 = arith.constant 1 : i32
        %while3A_243 = scf.for %while3A_251 = %while3A_239 to %while3A_235 step %while3A_242 iter_args(%while3A_252 = %while3A_241) -> (vector<16xi32>)  : i32 {
          %mul3A_253 = arith.constant 16 : i32
          %mul3A_254 = arith.muli %while3A_251, %mul3A_253 : i32
          %add3A_255 = vector.broadcast %mul3A_254 : i32 to vector<16xi32>
          %add3A_256 = arith.addi %iota3A, %add3A_255 : vector<16xi32>
          %lt3A_257 = vector.broadcast %select_n3A : i32 to vector<16xi32>
          %lt3A_258 = arith.cmpi slt, %add3A_256, %lt3A_257 : vector<16xi32>
          %mul3A_259 = arith.constant 16 : i32
          %mul3A_260 = arith.muli %while3A_251, %mul3A_259 : i32
          %get3A_261 = arith.index_cast %mul3A_260 : i32 to index
          %get3A_262 = tpu.vector_load %arg8[%get3A_261] {strides = array<i32>} : memref<16384xi32, #tpu.memory_space<vmem>>, vector<16xi32>,
          %gather3A = tpu.vector_load_idx %arg6[%get3A_262] masked %lt3A_258 : memref<16384xf32, #tpu.memory_space<vmem>>[vector<16xi32>], vector<16xf32>, vector<16xi1>
          %bitcast3A = vector.bitcast %gather3A : vector<16xf32> to vector<16xi32>
          %le3A = arith.cmpi sle, %bitcast3A, %add3A_232 : vector<16xi32>
          %and3A_263 = arith.andi %lt3A_258, %le3A : vector<16xi1>
          %all_reduce_population_count3A = tpu.all_reduce %and3A_263 {dim = 0 : i64, kind = #tpu.reduction_kind<sum>} : vector<16xi1> -> vector<16xi32>
          %add3A_264 = arith.addi %while3A_252, %all_reduce_population_count3A : vector<16xi32>
          scf.yield %add3A_264 : vector<16xi32>
        }
        %ge3A = arith.constant 64 : i32
        %ge3A_244 = vector.broadcast %ge3A : i32 to vector<16xi32>
        %ge3A_245 = arith.cmpi sge, %while3A_243, %ge3A_244 : vector<16xi32>
        %add3A_246 = arith.constant 1 : i32
        %add3A_247 = vector.broadcast %add3A_246 : i32 to vector<16xi32>
        %add3A_248 = arith.addi %add3A_232, %add3A_247 : vector<16xi32>
        %select_n3A_249 = arith.select %ge3A_245, %scan3A_226, %add3A_248 : vector<16xi1>, vector<16xi32>
        %select_n3A_250 = arith.select %ge3A_245, %add3A_232, %scan3A_227 : vector<16xi1>, vector<16xi32>
        scf.yield %select_n3A_249, %select_n3A_250 : vector<16xi32>, vector<16xi32>
      }
      %scan3A_67 = arith.constant 31 : i32
      %sub3A_68 = arith.constant 1 : i32
      %sub3A_69 = vector.broadcast %sub3A_68 : i32 to vector<16xi32>
      %sub3A_70 = arith.subi %scan3A_66#0, %sub3A_69 : vector<16xi32>
      %while3A = arith.constant 0 : i32
      %while3A_71 = arith.subi %shift_right_arithmetic3A_59, %while3A : i32
      %while3A_72 = arith.addi %while3A, %while3A_71 : i32
      %while3A_73 = arith.constant 1 : i32
      %while3A_74 = arith.divsi %while3A_71, %while3A_73 : i32
      %while3A_75 = arith.muli %while3A_74, %while3A_73 : i32
      %while3A_76 = arith.addi %while3A, %while3A_75 : i32
      %while3A_77 = arith.constant 1 : i32
      %while3A_78 = scf.for %while3A_225 = %while3A to %while3A_76 step %while3A_77 iter_args(%while3A_226 = %broadcast_in_dim3A_7) -> (vector<16xi32>)  : i32 {
        %mul3A_227 = arith.constant 16 : i32
        %mul3A_228 = arith.muli %while3A_225, %mul3A_227 : i32
        %add3A_229 = vector.broadcast %mul3A_228 : i32 to vector<16xi32>
        %add3A_230 = arith.addi %iota3A, %add3A_229 : vector<16xi32>
        %lt3A_231 = vector.broadcast %select_n3A : i32 to vector<16xi32>
        %lt3A_232 = arith.cmpi slt, %add3A_230, %lt3A_231 : vector<16xi32>
        %mul3A_233 = arith.constant 16 : i32
        %mul3A_234 = arith.muli %while3A_225, %mul3A_233 : i32
        %get3A_235 = arith.index_cast %mul3A_234 : i32 to index
        %get3A_236 = tpu.vector_load %arg8[%get3A_235] {strides = array<i32>} : memref<16384xi32, #tpu.memory_space<vmem>>, vector<16xi32>,
        %gather3A = tpu.vector_load_idx %arg6[%get3A_236] masked %lt3A_232 : memref<16384xf32, #tpu.memory_space<vmem>>[vector<16xi32>], vector<16xf32>, vector<16xi1>
        %bitcast3A = vector.bitcast %gather3A : vector<16xf32> to vector<16xi32>
        %le3A = arith.cmpi sle, %bitcast3A, %sub3A_70 : vector<16xi32>
        %and3A_237 = arith.andi %lt3A_232, %le3A : vector<16xi1>
        %all_reduce_population_count3A = tpu.all_reduce %and3A_237 {dim = 0 : i64, kind = #tpu.reduction_kind<sum>} : vector<16xi1> -> vector<16xi32>
        %add3A_238 = arith.addi %while3A_226, %all_reduce_population_count3A : vector<16xi32>
        scf.yield %add3A_238 : vector<16xi32>
      }
      %while3A_79 = arith.constant 1 : i32
      %while3A_80 = scf.for %while3A_225 = %while3A_76 to %while3A_72 step %while3A_79 iter_args(%while3A_226 = %while3A_78) -> (vector<16xi32>)  : i32 {
        %mul3A_227 = arith.constant 16 : i32
        %mul3A_228 = arith.muli %while3A_225, %mul3A_227 : i32
        %add3A_229 = vector.broadcast %mul3A_228 : i32 to vector<16xi32>
        %add3A_230 = arith.addi %iota3A, %add3A_229 : vector<16xi32>
        %lt3A_231 = vector.broadcast %select_n3A : i32 to vector<16xi32>
        %lt3A_232 = arith.cmpi slt, %add3A_230, %lt3A_231 : vector<16xi32>
        %mul3A_233 = arith.constant 16 : i32
        %mul3A_234 = arith.muli %while3A_225, %mul3A_233 : i32
        %get3A_235 = arith.index_cast %mul3A_234 : i32 to index
        %get3A_236 = tpu.vector_load %arg8[%get3A_235] {strides = array<i32>} : memref<16384xi32, #tpu.memory_space<vmem>>, vector<16xi32>,
        %gather3A = tpu.vector_load_idx %arg6[%get3A_236] masked %lt3A_232 : memref<16384xf32, #tpu.memory_space<vmem>>[vector<16xi32>], vector<16xf32>, vector<16xi1>
        %bitcast3A = vector.bitcast %gather3A : vector<16xf32> to vector<16xi32>
        %le3A = arith.cmpi sle, %bitcast3A, %sub3A_70 : vector<16xi32>
        %and3A_237 = arith.andi %lt3A_232, %le3A : vector<16xi1>
        %all_reduce_population_count3A = tpu.all_reduce %and3A_237 {dim = 0 : i64, kind = #tpu.reduction_kind<sum>} : vector<16xi1> -> vector<16xi32>
        %add3A_238 = arith.addi %while3A_226, %all_reduce_population_count3A : vector<16xi32>
        scf.yield %add3A_238 : vector<16xi32>
      }
      %sub3A_81 = arith.constant 64 : i32
      %sub3A_82 = vector.broadcast %sub3A_81 : i32 to vector<16xi32>
      %sub3A_83 = arith.subi %sub3A_82, %while3A_80 : vector<16xi32>
      %while3A_84 = arith.constant 0 : i32
      %while3A_85 = arith.subi %shift_right_arithmetic3A_59, %while3A_84 : i32
      %while3A_86 = arith.addi %while3A_84, %while3A_85 : i32
      %while3A_87 = arith.constant 1 : i32
      %while3A_88 = arith.divsi %while3A_85, %while3A_87 : i32
      %while3A_89 = arith.muli %while3A_88, %while3A_87 : i32
      %while3A_90 = arith.addi %while3A_84, %while3A_89 : i32
      %while3A_91 = arith.constant 1 : i32
      %while3A_92:3 = scf.for %while3A_225 = %while3A_84 to %while3A_90 step %while3A_91 iter_args(%while3A_226 = %broadcast_in_dim3A_5, %while3A_227 = %broadcast_in_dim3A_5, %while3A_228 = %broadcast_in_dim3A_7) -> (vector<16xf32>, vector<16xf32>, vector<16xi32>)  : i32 {
        %mul3A_229 = arith.constant 16 : i32
        %mul3A_230 = arith.muli %while3A_225, %mul3A_229 : i32
        %add3A_231 = vector.broadcast %mul3A_230 : i32 to vector<16xi32>
        %add3A_232 = arith.addi %iota3A, %add3A_231 : vector<16xi32>
        %lt3A_233 = vector.broadcast %select_n3A : i32 to vector<16xi32>
        %lt3A_234 = arith.cmpi slt, %add3A_232, %lt3A_233 : vector<16xi32>
        %mul3A_235 = arith.constant 16 : i32
        %mul3A_236 = arith.muli %while3A_225, %mul3A_235 : i32
        %get3A_237 = arith.index_cast %mul3A_236 : i32 to index
        %get3A_238 = tpu.vector_load %arg8[%get3A_237] {strides = array<i32>} : memref<16384xi32, #tpu.memory_space<vmem>>, vector<16xi32>,
        %gather3A = tpu.vector_load_idx %arg6[%get3A_238] masked %lt3A_234 : memref<16384xf32, #tpu.memory_space<vmem>>[vector<16xi32>], vector<16xf32>, vector<16xi1>
        %bitcast3A = vector.bitcast %gather3A : vector<16xf32> to vector<16xi32>
        %eq3A_239 = arith.cmpi eq, %bitcast3A, %scan3A_66#0 : vector<16xi32>
        %and3A_240 = arith.andi %lt3A_234, %eq3A_239 : vector<16xi1>
        %convert_element_type3A_241 = arith.extui %and3A_240 : vector<16xi1> to vector<16xi32>
        %broadcast_in_dim3A_242 = arith.constant true
        %broadcast_in_dim3A_243 = vector.broadcast %broadcast_in_dim3A_242 : i1 to vector<16xi1>
        %masked_cumsum3A = tpu.scan <sum>, %convert_element_type3A_241 masked %broadcast_in_dim3A_243 : vector<16xi32>, vector<16xi1> -> vector<16xi32>
        %add3A_244 = arith.addi %masked_cumsum3A, %while3A_228 : vector<16xi32>
        %lt3A_245 = arith.cmpi slt, %bitcast3A, %scan3A_66#0 : vector<16xi32>
        %and3A_246 = arith.andi %lt3A_234, %lt3A_245 : vector<16xi1>
        %le3A = arith.cmpi sle, %add3A_244, %sub3A_83 : vector<16xi32>
        %and3A_247 = arith.andi %and3A_240, %le3A : vector<16xi1>
        %or3A = arith.ori %and3A_246, %and3A_247 : vector<16xi1>
        %gather3A_248 = tpu.vector_load_idx %arg9[%get3A_238] masked %or3A : memref<16384xf32, #tpu.memory_space<vmem>>[vector<16xi32>], vector<16xf32>, vector<16xi1>
        %jit3A_249 = arith.constant 0.000000e+00 : f32
        %broadcast_in_dim3A_250 = vector.broadcast %jit3A_249 : f32 to vector<16xf32>
        %select_n3A_251 = arith.select %or3A, %gather3A_248, %broadcast_in_dim3A_250 : vector<16xi1>, vector<16xf32>
        %neg3A = arith.constant 0.000000e+00 : f32
        %neg3A_252 = vector.broadcast %neg3A : f32 to vector<16xf32>
        %neg3A_253 = arith.subf %neg3A_252, %mul3A_4 : vector<16xf32>
        %mul3A_254 = arith.mulf %neg3A_253, %gather3A : vector<16xf32>
        %exp3A = math.exp %mul3A_254 : vector<16xf32>
        %jit3A_255 = arith.constant 0.000000e+00 : f32
        %broadcast_in_dim3A_256 = vector.broadcast %jit3A_255 : f32 to vector<16xf32>
        %select_n3A_257 = arith.select %or3A, %exp3A, %broadcast_in_dim3A_256 : vector<16xi1>, vector<16xf32>
        %all_reduce_population_count3A = tpu.all_reduce %and3A_240 {dim = 0 : i64, kind = #tpu.reduction_kind<sum>} : vector<16xi1> -> vector<16xi32>
        %add3A_258 = arith.addi %while3A_228, %all_reduce_population_count3A : vector<16xi32>
        %mul3A_259 = arith.mulf %select_n3A_257, %select_n3A_251 : vector<16xf32>
        %add3A_260 = arith.addf %while3A_226, %mul3A_259 : vector<16xf32>
        %add3A_261 = arith.addf %while3A_227, %select_n3A_257 : vector<16xf32>
        scf.yield %add3A_260, %add3A_261, %add3A_258 : vector<16xf32>, vector<16xf32>, vector<16xi32>
      }
      %while3A_93 = arith.constant 1 : i32
      %while3A_94:3 = scf.for %while3A_225 = %while3A_90 to %while3A_86 step %while3A_93 iter_args(%while3A_226 = %while3A_92#0, %while3A_227 = %while3A_92#1, %while3A_228 = %while3A_92#2) -> (vector<16xf32>, vector<16xf32>, vector<16xi32>)  : i32 {
        %mul3A_229 = arith.constant 16 : i32
        %mul3A_230 = arith.muli %while3A_225, %mul3A_229 : i32
        %add3A_231 = vector.broadcast %mul3A_230 : i32 to vector<16xi32>
        %add3A_232 = arith.addi %iota3A, %add3A_231 : vector<16xi32>
        %lt3A_233 = vector.broadcast %select_n3A : i32 to vector<16xi32>
        %lt3A_234 = arith.cmpi slt, %add3A_232, %lt3A_233 : vector<16xi32>
        %mul3A_235 = arith.constant 16 : i32
        %mul3A_236 = arith.muli %while3A_225, %mul3A_235 : i32
        %get3A_237 = arith.index_cast %mul3A_236 : i32 to index
        %get3A_238 = tpu.vector_load %arg8[%get3A_237] {strides = array<i32>} : memref<16384xi32, #tpu.memory_space<vmem>>, vector<16xi32>,
        %gather3A = tpu.vector_load_idx %arg6[%get3A_238] masked %lt3A_234 : memref<16384xf32, #tpu.memory_space<vmem>>[vector<16xi32>], vector<16xf32>, vector<16xi1>
        %bitcast3A = vector.bitcast %gather3A : vector<16xf32> to vector<16xi32>
        %eq3A_239 = arith.cmpi eq, %bitcast3A, %scan3A_66#0 : vector<16xi32>
        %and3A_240 = arith.andi %lt3A_234, %eq3A_239 : vector<16xi1>
        %convert_element_type3A_241 = arith.extui %and3A_240 : vector<16xi1> to vector<16xi32>
        %broadcast_in_dim3A_242 = arith.constant true
        %broadcast_in_dim3A_243 = vector.broadcast %broadcast_in_dim3A_242 : i1 to vector<16xi1>
        %masked_cumsum3A = tpu.scan <sum>, %convert_element_type3A_241 masked %broadcast_in_dim3A_243 : vector<16xi32>, vector<16xi1> -> vector<16xi32>
        %add3A_244 = arith.addi %masked_cumsum3A, %while3A_228 : vector<16xi32>
        %lt3A_245 = arith.cmpi slt, %bitcast3A, %scan3A_66#0 : vector<16xi32>
        %and3A_246 = arith.andi %lt3A_234, %lt3A_245 : vector<16xi1>
        %le3A = arith.cmpi sle, %add3A_244, %sub3A_83 : vector<16xi32>
        %and3A_247 = arith.andi %and3A_240, %le3A : vector<16xi1>
        %or3A = arith.ori %and3A_246, %and3A_247 : vector<16xi1>
        %gather3A_248 = tpu.vector_load_idx %arg9[%get3A_238] masked %or3A : memref<16384xf32, #tpu.memory_space<vmem>>[vector<16xi32>], vector<16xf32>, vector<16xi1>
        %jit3A_249 = arith.constant 0.000000e+00 : f32
        %broadcast_in_dim3A_250 = vector.broadcast %jit3A_249 : f32 to vector<16xf32>
        %select_n3A_251 = arith.select %or3A, %gather3A_248, %broadcast_in_dim3A_250 : vector<16xi1>, vector<16xf32>
        %neg3A = arith.constant 0.000000e+00 : f32
        %neg3A_252 = vector.broadcast %neg3A : f32 to vector<16xf32>
        %neg3A_253 = arith.subf %neg3A_252, %mul3A_4 : vector<16xf32>
        %mul3A_254 = arith.mulf %neg3A_253, %gather3A : vector<16xf32>
        %exp3A = math.exp %mul3A_254 : vector<16xf32>
        %jit3A_255 = arith.constant 0.000000e+00 : f32
        %broadcast_in_dim3A_256 = vector.broadcast %jit3A_255 : f32 to vector<16xf32>
        %select_n3A_257 = arith.select %or3A, %exp3A, %broadcast_in_dim3A_256 : vector<16xi1>, vector<16xf32>
        %all_reduce_population_count3A = tpu.all_reduce %and3A_240 {dim = 0 : i64, kind = #tpu.reduction_kind<sum>} : vector<16xi1> -> vector<16xi32>
        %add3A_258 = arith.addi %while3A_228, %all_reduce_population_count3A : vector<16xi32>
        %mul3A_259 = arith.mulf %select_n3A_257, %select_n3A_251 : vector<16xf32>
        %add3A_260 = arith.addf %while3A_226, %mul3A_259 : vector<16xf32>
        %add3A_261 = arith.addf %while3A_227, %select_n3A_257 : vector<16xf32>
        scf.yield %add3A_260, %add3A_261, %add3A_258 : vector<16xf32>, vector<16xf32>, vector<16xi32>
      }
      %reduce_sum3A = arith.constant true
      %reduce_sum3A_95 = vector.broadcast %reduce_sum3A : i1 to vector<16xi1>
      %reduce_sum3A_96 = tpu.scan <sum>, %while3A_94#0 masked %reduce_sum3A_95 : vector<16xf32>, vector<16xi1> -> vector<16xf32>
      %reduce_sum3A_97 = vector.extract %reduce_sum3A_96[15] : f32 from vector<16xf32>
      %broadcast_in_dim3A_98 = vector.broadcast %reduce_sum3A_97 : f32 to vector<16xf32>
      %reduce_sum3A_99 = arith.constant true
      %reduce_sum3A_100 = vector.broadcast %reduce_sum3A_99 : i1 to vector<16xi1>
      %reduce_sum3A_101 = tpu.scan <sum>, %while3A_94#1 masked %reduce_sum3A_100 : vector<16xf32>, vector<16xi1> -> vector<16xf32>
      %reduce_sum3A_102 = vector.extract %reduce_sum3A_101[15] : f32 from vector<16xf32>
      %broadcast_in_dim3A_103 = vector.broadcast %reduce_sum3A_102 : f32 to vector<16xf32>
      %div3A = arith.divf %broadcast_in_dim3A_98, %broadcast_in_dim3A_103 : vector<16xf32>
      %lt3A_104 = arith.constant 16 : i32
      %lt3A_105 = arith.cmpi slt, %mul3A_25, %lt3A_104 : i32
      %eq3A = vector.broadcast %mul3A_25 : i32 to vector<16xi32>
      %eq3A_106 = arith.cmpi eq, %iota3A, %eq3A : vector<16xi32>
      %and3A = vector.broadcast %lt3A_105 : i1 to vector<16xi1>
      %and3A_107 = arith.andi %eq3A_106, %and3A : vector<16xi1>
      %sub3A_108 = arith.constant 16 : i32
      %sub3A_109 = arith.subi %mul3A_25, %sub3A_108 : i32
      %eq3A_110 = vector.broadcast %sub3A_109 : i32 to vector<16xi32>
      %eq3A_111 = arith.cmpi eq, %iota3A, %eq3A_110 : vector<16xi32>
      %not3A = arith.constant true
      %not3A_112 = arith.xori %lt3A_105, %not3A : i1
      %and3A_113 = vector.broadcast %not3A_112 : i1 to vector<16xi1>
      %and3A_114 = arith.andi %eq3A_111, %and3A_113 : vector<16xi1>
      %select_n3A_115 = arith.select %and3A_107, %div3A, %scan3A_22 : vector<16xi1>, vector<16xf32>
      %select_n3A_116 = arith.select %and3A_114, %div3A, %scan3A_23 : vector<16xi1>, vector<16xf32>
      %lt3A_117 = arith.constant 15 : i32
      %lt3A_118 = arith.cmpi slt, %scan3A_21, %lt3A_117 : i32
      %convert_element_type3A_119 = arith.extui %lt3A_118 : i1 to i32
      %cond3A_120 = arith.constant 0 : i32
      %cond3A_121 = arith.cmpi ne, %convert_element_type3A_119, %cond3A_120 : i32
      scf.if %cond3A_121 {
        %add3A_225 = arith.constant 2 : i32
        %add3A_226 = arith.addi %mul3A_25, %add3A_225 : i32
        %add3A_227 = arith.addi %mul3A_2, %add3A_226 : i32
        %mul3A_228 = arith.constant 16384 : i32
        %mul3A_229 = arith.muli %add3A_227, %mul3A_228 : i32
        %dma_start3A_230 = tpu.memref_slice %arg2[%mul3A_229] : memref<16777216xf32, #tpu.memory_space<hbm>> -> memref<16384xf32, #tpu.memory_space<hbm>>
        %dma_start3A_231 = tpu.memref_slice %arg2[%mul3A_229] : memref<16777216xf32, #tpu.memory_space<hbm>> -> memref<16384xf32, #tpu.memory_space<hbm>>
        tpu.enqueue_dma source(%dma_start3A_231 : memref<16384xf32, #tpu.memory_space<hbm>>) target(%arg6 : memref<16384xf32, #tpu.memory_space<vmem>>) target_semaphore(%arg12 : memref<!tpu.dma_semaphore, #tpu.memory_space<semaphore_mem>>)
      } else {
      }
      %add3A_122 = arith.constant 1 : i32
      %add3A_123 = arith.addi %mul3A_25, %add3A_122 : i32
      %add3A_124 = arith.addi %mul3A_2, %add3A_123 : i32
      %mul3A_125 = arith.constant 16384 : i32
      %mul3A_126 = arith.muli %add3A_124, %mul3A_125 : i32
      %dma_wait3A_127 = tpu.memref_slice %arg2[%mul3A_126] : memref<16777216xf32, #tpu.memory_space<hbm>> -> memref<16384xf32, #tpu.memory_space<hbm>>
      %dma_wait3A_128 = tpu.memref_slice %arg2[%mul3A_126] : memref<16777216xf32, #tpu.memory_space<hbm>> -> memref<16384xf32, #tpu.memory_space<hbm>>
      tpu.wait_dma2 semaphore(%arg13 : memref<!tpu.dma_semaphore, #tpu.memory_space<semaphore_mem>>) src(%dma_wait3A_128 : memref<16384xf32, #tpu.memory_space<hbm>>) dst(%arg7 : memref<16384xf32, #tpu.memory_space<vmem>>)
      %add3A_129 = arith.constant 1 : i32
      %add3A_130 = arith.addi %mul3A_25, %add3A_129 : i32
      %broadcast_in_dim3A_131 = arith.constant 0.009765625 : f32
      %broadcast_in_dim3A_132 = vector.broadcast %broadcast_in_dim3A_131 : f32 to vector<16xf32>
      %scan3A_133 = arith.constant 0 : i32
      %scan3A_134 = arith.constant 128 : i32
      %scan3A_135 = arith.addi %scan3A_133, %scan3A_134 : i32
      %scan3A_136 = arith.constant 1 : i32
      %scan3A_137 = scf.for %scan3A_225 = %scan3A_133 to %scan3A_135 step %scan3A_136 iter_args(%scan3A_226 = %broadcast_in_dim3A_7) -> (vector<16xi32>)  : i32 {
        %mul3A_227 = arith.constant 8 : i32
        %mul3A_228 = arith.muli %scan3A_225, %mul3A_227 : i32
        %add3A_229 = arith.constant 0 : i32
        %add3A_230 = arith.addi %mul3A_228, %add3A_229 : i32
        %mul3A_231 = arith.constant 16 : i32
        %mul3A_232 = arith.muli %add3A_230, %mul3A_231 : i32
        %get3A_233 = arith.index_cast %mul3A_232 : i32 to index
        %get3A_234 = tpu.vector_load %arg7[%get3A_233] {strides = array<i32>} : memref<16384xf32, #tpu.memory_space<vmem>>, vector<16xf32>,
        %add3A_235 = arith.constant 1 : i32
        %add3A_236 = arith.addi %mul3A_228, %add3A_235 : i32
        %mul3A_237 = arith.constant 16 : i32
        %mul3A_238 = arith.muli %add3A_236, %mul3A_237 : i32
        %get3A_239 = arith.index_cast %mul3A_238 : i32 to index
        %get3A_240 = tpu.vector_load %arg7[%get3A_239] {strides = array<i32>} : memref<16384xf32, #tpu.memory_space<vmem>>, vector<16xf32>,
        %add3A_241 = arith.constant 2 : i32
        %add3A_242 = arith.addi %mul3A_228, %add3A_241 : i32
        %mul3A_243 = arith.constant 16 : i32
        %mul3A_244 = arith.muli %add3A_242, %mul3A_243 : i32
        %get3A_245 = arith.index_cast %mul3A_244 : i32 to index
        %get3A_246 = tpu.vector_load %arg7[%get3A_245] {strides = array<i32>} : memref<16384xf32, #tpu.memory_space<vmem>>, vector<16xf32>,
        %add3A_247 = arith.constant 3 : i32
        %add3A_248 = arith.addi %mul3A_228, %add3A_247 : i32
        %mul3A_249 = arith.constant 16 : i32
        %mul3A_250 = arith.muli %add3A_248, %mul3A_249 : i32
        %get3A_251 = arith.index_cast %mul3A_250 : i32 to index
        %get3A_252 = tpu.vector_load %arg7[%get3A_251] {strides = array<i32>} : memref<16384xf32, #tpu.memory_space<vmem>>, vector<16xf32>,
        %add3A_253 = arith.constant 4 : i32
        %add3A_254 = arith.addi %mul3A_228, %add3A_253 : i32
        %mul3A_255 = arith.constant 16 : i32
        %mul3A_256 = arith.muli %add3A_254, %mul3A_255 : i32
        %get3A_257 = arith.index_cast %mul3A_256 : i32 to index
        %get3A_258 = tpu.vector_load %arg7[%get3A_257] {strides = array<i32>} : memref<16384xf32, #tpu.memory_space<vmem>>, vector<16xf32>,
        %add3A_259 = arith.constant 5 : i32
        %add3A_260 = arith.addi %mul3A_228, %add3A_259 : i32
        %mul3A_261 = arith.constant 16 : i32
        %mul3A_262 = arith.muli %add3A_260, %mul3A_261 : i32
        %get3A_263 = arith.index_cast %mul3A_262 : i32 to index
        %get3A_264 = tpu.vector_load %arg7[%get3A_263] {strides = array<i32>} : memref<16384xf32, #tpu.memory_space<vmem>>, vector<16xf32>,
        %add3A_265 = arith.constant 6 : i32
        %add3A_266 = arith.addi %mul3A_228, %add3A_265 : i32
        %mul3A_267 = arith.constant 16 : i32
        %mul3A_268 = arith.muli %add3A_266, %mul3A_267 : i32
        %get3A_269 = arith.index_cast %mul3A_268 : i32 to index
        %get3A_270 = tpu.vector_load %arg7[%get3A_269] {strides = array<i32>} : memref<16384xf32, #tpu.memory_space<vmem>>, vector<16xf32>,
        %add3A_271 = arith.constant 7 : i32
        %add3A_272 = arith.addi %mul3A_228, %add3A_271 : i32
        %mul3A_273 = arith.constant 16 : i32
        %mul3A_274 = arith.muli %add3A_272, %mul3A_273 : i32
        %get3A_275 = arith.index_cast %mul3A_274 : i32 to index
        %get3A_276 = tpu.vector_load %arg7[%get3A_275] {strides = array<i32>} : memref<16384xf32, #tpu.memory_space<vmem>>, vector<16xf32>,
        %lt3A_277 = arith.cmpf olt, %get3A_234, %broadcast_in_dim3A_132 : vector<16xf32>
        %lt3A_278 = arith.cmpf olt, %get3A_240, %broadcast_in_dim3A_132 : vector<16xf32>
        %lt3A_279 = arith.cmpf olt, %get3A_246, %broadcast_in_dim3A_132 : vector<16xf32>
        %lt3A_280 = arith.cmpf olt, %get3A_252, %broadcast_in_dim3A_132 : vector<16xf32>
        %lt3A_281 = arith.cmpf olt, %get3A_258, %broadcast_in_dim3A_132 : vector<16xf32>
        %lt3A_282 = arith.cmpf olt, %get3A_264, %broadcast_in_dim3A_132 : vector<16xf32>
        %lt3A_283 = arith.cmpf olt, %get3A_270, %broadcast_in_dim3A_132 : vector<16xf32>
        %lt3A_284 = arith.cmpf olt, %get3A_276, %broadcast_in_dim3A_132 : vector<16xf32>
        %convert_element_type3A_285 = arith.extui %lt3A_277 : vector<16xi1> to vector<16xi32>
        %broadcast_in_dim3A_286 = arith.constant true
        %broadcast_in_dim3A_287 = vector.broadcast %broadcast_in_dim3A_286 : i1 to vector<16xi1>
        %masked_cumsum3A = tpu.scan <sum>, %convert_element_type3A_285 masked %broadcast_in_dim3A_287 : vector<16xi32>, vector<16xi1> -> vector<16xi32>
        %convert_element_type3A_288 = arith.extui %lt3A_278 : vector<16xi1> to vector<16xi32>
        %broadcast_in_dim3A_289 = arith.constant true
        %broadcast_in_dim3A_290 = vector.broadcast %broadcast_in_dim3A_289 : i1 to vector<16xi1>
        %masked_cumsum3A_291 = tpu.scan <sum>, %convert_element_type3A_288 masked %broadcast_in_dim3A_290 : vector<16xi32>, vector<16xi1> -> vector<16xi32>
        %convert_element_type3A_292 = arith.extui %lt3A_279 : vector<16xi1> to vector<16xi32>
        %broadcast_in_dim3A_293 = arith.constant true
        %broadcast_in_dim3A_294 = vector.broadcast %broadcast_in_dim3A_293 : i1 to vector<16xi1>
        %masked_cumsum3A_295 = tpu.scan <sum>, %convert_element_type3A_292 masked %broadcast_in_dim3A_294 : vector<16xi32>, vector<16xi1> -> vector<16xi32>
        %convert_element_type3A_296 = arith.extui %lt3A_280 : vector<16xi1> to vector<16xi32>
        %broadcast_in_dim3A_297 = arith.constant true
        %broadcast_in_dim3A_298 = vector.broadcast %broadcast_in_dim3A_297 : i1 to vector<16xi1>
        %masked_cumsum3A_299 = tpu.scan <sum>, %convert_element_type3A_296 masked %broadcast_in_dim3A_298 : vector<16xi32>, vector<16xi1> -> vector<16xi32>
        %convert_element_type3A_300 = arith.extui %lt3A_281 : vector<16xi1> to vector<16xi32>
        %broadcast_in_dim3A_301 = arith.constant true
        %broadcast_in_dim3A_302 = vector.broadcast %broadcast_in_dim3A_301 : i1 to vector<16xi1>
        %masked_cumsum3A_303 = tpu.scan <sum>, %convert_element_type3A_300 masked %broadcast_in_dim3A_302 : vector<16xi32>, vector<16xi1> -> vector<16xi32>
        %convert_element_type3A_304 = arith.extui %lt3A_282 : vector<16xi1> to vector<16xi32>
        %broadcast_in_dim3A_305 = arith.constant true
        %broadcast_in_dim3A_306 = vector.broadcast %broadcast_in_dim3A_305 : i1 to vector<16xi1>
        %masked_cumsum3A_307 = tpu.scan <sum>, %convert_element_type3A_304 masked %broadcast_in_dim3A_306 : vector<16xi32>, vector<16xi1> -> vector<16xi32>
        %convert_element_type3A_308 = arith.extui %lt3A_283 : vector<16xi1> to vector<16xi32>
        %broadcast_in_dim3A_309 = arith.constant true
        %broadcast_in_dim3A_310 = vector.broadcast %broadcast_in_dim3A_309 : i1 to vector<16xi1>
        %masked_cumsum3A_311 = tpu.scan <sum>, %convert_element_type3A_308 masked %broadcast_in_dim3A_310 : vector<16xi32>, vector<16xi1> -> vector<16xi32>
        %convert_element_type3A_312 = arith.extui %lt3A_284 : vector<16xi1> to vector<16xi32>
        %broadcast_in_dim3A_313 = arith.constant true
        %broadcast_in_dim3A_314 = vector.broadcast %broadcast_in_dim3A_313 : i1 to vector<16xi1>
        %masked_cumsum3A_315 = tpu.scan <sum>, %convert_element_type3A_312 masked %broadcast_in_dim3A_314 : vector<16xi32>, vector<16xi1> -> vector<16xi32>
        %all_reduce_population_count3A = tpu.all_reduce %lt3A_277 {dim = 0 : i64, kind = #tpu.reduction_kind<sum>} : vector<16xi1> -> vector<16xi32>
        %all_reduce_population_count3A_316 = tpu.all_reduce %lt3A_278 {dim = 0 : i64, kind = #tpu.reduction_kind<sum>} : vector<16xi1> -> vector<16xi32>
        %all_reduce_population_count3A_317 = tpu.all_reduce %lt3A_279 {dim = 0 : i64, kind = #tpu.reduction_kind<sum>} : vector<16xi1> -> vector<16xi32>
        %all_reduce_population_count3A_318 = tpu.all_reduce %lt3A_280 {dim = 0 : i64, kind = #tpu.reduction_kind<sum>} : vector<16xi1> -> vector<16xi32>
        %all_reduce_population_count3A_319 = tpu.all_reduce %lt3A_281 {dim = 0 : i64, kind = #tpu.reduction_kind<sum>} : vector<16xi1> -> vector<16xi32>
        %all_reduce_population_count3A_320 = tpu.all_reduce %lt3A_282 {dim = 0 : i64, kind = #tpu.reduction_kind<sum>} : vector<16xi1> -> vector<16xi32>
        %all_reduce_population_count3A_321 = tpu.all_reduce %lt3A_283 {dim = 0 : i64, kind = #tpu.reduction_kind<sum>} : vector<16xi1> -> vector<16xi32>
        %all_reduce_population_count3A_322 = tpu.all_reduce %lt3A_284 {dim = 0 : i64, kind = #tpu.reduction_kind<sum>} : vector<16xi1> -> vector<16xi32>
        %add3A_323 = arith.addi %scan3A_226, %all_reduce_population_count3A : vector<16xi32>
        %add3A_324 = arith.addi %add3A_323, %all_reduce_population_count3A_316 : vector<16xi32>
        %add3A_325 = arith.addi %add3A_324, %all_reduce_population_count3A_317 : vector<16xi32>
        %add3A_326 = arith.addi %add3A_325, %all_reduce_population_count3A_318 : vector<16xi32>
        %add3A_327 = arith.addi %add3A_326, %all_reduce_population_count3A_319 : vector<16xi32>
        %add3A_328 = arith.addi %add3A_327, %all_reduce_population_count3A_320 : vector<16xi32>
        %add3A_329 = arith.addi %add3A_328, %all_reduce_population_count3A_321 : vector<16xi32>
        %add3A_330 = arith.addi %add3A_329, %all_reduce_population_count3A_322 : vector<16xi32>
        %add3A_331 = arith.addi %scan3A_226, %masked_cumsum3A : vector<16xi32>
        %sub3A_332 = arith.constant 1 : i32
        %sub3A_333 = vector.broadcast %sub3A_332 : i32 to vector<16xi32>
        %sub3A_334 = arith.subi %add3A_331, %sub3A_333 : vector<16xi32>
        %add3A_335 = arith.constant 0 : i32
        %add3A_336 = arith.addi %mul3A_228, %add3A_335 : i32
        %mul3A_337 = arith.constant 16 : i32
        %mul3A_338 = arith.muli %add3A_336, %mul3A_337 : i32
        %add3A_339 = vector.broadcast %mul3A_338 : i32 to vector<16xi32>
        %add3A_340 = arith.addi %iota3A, %add3A_339 : vector<16xi32>
        tpu.vector_store_idx %arg8[%sub3A_334], %add3A_340 masked %lt3A_277 : memref<16384xi32, #tpu.memory_space<vmem>>[vector<16xi32>], vector<16xi32>, vector<16xi1>
        %add3A_341 = arith.addi %add3A_323, %masked_cumsum3A_291 : vector<16xi32>
        %sub3A_342 = arith.constant 1 : i32
        %sub3A_343 = vector.broadcast %sub3A_342 : i32 to vector<16xi32>
        %sub3A_344 = arith.subi %add3A_341, %sub3A_343 : vector<16xi32>
        %add3A_345 = arith.constant 1 : i32
        %add3A_346 = arith.addi %mul3A_228, %add3A_345 : i32
        %mul3A_347 = arith.constant 16 : i32
        %mul3A_348 = arith.muli %add3A_346, %mul3A_347 : i32
        %add3A_349 = vector.broadcast %mul3A_348 : i32 to vector<16xi32>
        %add3A_350 = arith.addi %iota3A, %add3A_349 : vector<16xi32>
        tpu.vector_store_idx %arg8[%sub3A_344], %add3A_350 masked %lt3A_278 : memref<16384xi32, #tpu.memory_space<vmem>>[vector<16xi32>], vector<16xi32>, vector<16xi1>
        %add3A_351 = arith.addi %add3A_324, %masked_cumsum3A_295 : vector<16xi32>
        %sub3A_352 = arith.constant 1 : i32
        %sub3A_353 = vector.broadcast %sub3A_352 : i32 to vector<16xi32>
        %sub3A_354 = arith.subi %add3A_351, %sub3A_353 : vector<16xi32>
        %add3A_355 = arith.constant 2 : i32
        %add3A_356 = arith.addi %mul3A_228, %add3A_355 : i32
        %mul3A_357 = arith.constant 16 : i32
        %mul3A_358 = arith.muli %add3A_356, %mul3A_357 : i32
        %add3A_359 = vector.broadcast %mul3A_358 : i32 to vector<16xi32>
        %add3A_360 = arith.addi %iota3A, %add3A_359 : vector<16xi32>
        tpu.vector_store_idx %arg8[%sub3A_354], %add3A_360 masked %lt3A_279 : memref<16384xi32, #tpu.memory_space<vmem>>[vector<16xi32>], vector<16xi32>, vector<16xi1>
        %add3A_361 = arith.addi %add3A_325, %masked_cumsum3A_299 : vector<16xi32>
        %sub3A_362 = arith.constant 1 : i32
        %sub3A_363 = vector.broadcast %sub3A_362 : i32 to vector<16xi32>
        %sub3A_364 = arith.subi %add3A_361, %sub3A_363 : vector<16xi32>
        %add3A_365 = arith.constant 3 : i32
        %add3A_366 = arith.addi %mul3A_228, %add3A_365 : i32
        %mul3A_367 = arith.constant 16 : i32
        %mul3A_368 = arith.muli %add3A_366, %mul3A_367 : i32
        %add3A_369 = vector.broadcast %mul3A_368 : i32 to vector<16xi32>
        %add3A_370 = arith.addi %iota3A, %add3A_369 : vector<16xi32>
        tpu.vector_store_idx %arg8[%sub3A_364], %add3A_370 masked %lt3A_280 : memref<16384xi32, #tpu.memory_space<vmem>>[vector<16xi32>], vector<16xi32>, vector<16xi1>
        %add3A_371 = arith.addi %add3A_326, %masked_cumsum3A_303 : vector<16xi32>
        %sub3A_372 = arith.constant 1 : i32
        %sub3A_373 = vector.broadcast %sub3A_372 : i32 to vector<16xi32>
        %sub3A_374 = arith.subi %add3A_371, %sub3A_373 : vector<16xi32>
        %add3A_375 = arith.constant 4 : i32
        %add3A_376 = arith.addi %mul3A_228, %add3A_375 : i32
        %mul3A_377 = arith.constant 16 : i32
        %mul3A_378 = arith.muli %add3A_376, %mul3A_377 : i32
        %add3A_379 = vector.broadcast %mul3A_378 : i32 to vector<16xi32>
        %add3A_380 = arith.addi %iota3A, %add3A_379 : vector<16xi32>
        tpu.vector_store_idx %arg8[%sub3A_374], %add3A_380 masked %lt3A_281 : memref<16384xi32, #tpu.memory_space<vmem>>[vector<16xi32>], vector<16xi32>, vector<16xi1>
        %add3A_381 = arith.addi %add3A_327, %masked_cumsum3A_307 : vector<16xi32>
        %sub3A_382 = arith.constant 1 : i32
        %sub3A_383 = vector.broadcast %sub3A_382 : i32 to vector<16xi32>
        %sub3A_384 = arith.subi %add3A_381, %sub3A_383 : vector<16xi32>
        %add3A_385 = arith.constant 5 : i32
        %add3A_386 = arith.addi %mul3A_228, %add3A_385 : i32
        %mul3A_387 = arith.constant 16 : i32
        %mul3A_388 = arith.muli %add3A_386, %mul3A_387 : i32
        %add3A_389 = vector.broadcast %mul3A_388 : i32 to vector<16xi32>
        %add3A_390 = arith.addi %iota3A, %add3A_389 : vector<16xi32>
        tpu.vector_store_idx %arg8[%sub3A_384], %add3A_390 masked %lt3A_282 : memref<16384xi32, #tpu.memory_space<vmem>>[vector<16xi32>], vector<16xi32>, vector<16xi1>
        %add3A_391 = arith.addi %add3A_328, %masked_cumsum3A_311 : vector<16xi32>
        %sub3A_392 = arith.constant 1 : i32
        %sub3A_393 = vector.broadcast %sub3A_392 : i32 to vector<16xi32>
        %sub3A_394 = arith.subi %add3A_391, %sub3A_393 : vector<16xi32>
        %add3A_395 = arith.constant 6 : i32
        %add3A_396 = arith.addi %mul3A_228, %add3A_395 : i32
        %mul3A_397 = arith.constant 16 : i32
        %mul3A_398 = arith.muli %add3A_396, %mul3A_397 : i32
        %add3A_399 = vector.broadcast %mul3A_398 : i32 to vector<16xi32>
        %add3A_400 = arith.addi %iota3A, %add3A_399 : vector<16xi32>
        tpu.vector_store_idx %arg8[%sub3A_394], %add3A_400 masked %lt3A_283 : memref<16384xi32, #tpu.memory_space<vmem>>[vector<16xi32>], vector<16xi32>, vector<16xi1>
        %add3A_401 = arith.addi %add3A_329, %masked_cumsum3A_315 : vector<16xi32>
        %sub3A_402 = arith.constant 1 : i32
        %sub3A_403 = vector.broadcast %sub3A_402 : i32 to vector<16xi32>
        %sub3A_404 = arith.subi %add3A_401, %sub3A_403 : vector<16xi32>
        %add3A_405 = arith.constant 7 : i32
        %add3A_406 = arith.addi %mul3A_228, %add3A_405 : i32
        %mul3A_407 = arith.constant 16 : i32
        %mul3A_408 = arith.muli %add3A_406, %mul3A_407 : i32
        %add3A_409 = vector.broadcast %mul3A_408 : i32 to vector<16xi32>
        %add3A_410 = arith.addi %iota3A, %add3A_409 : vector<16xi32>
        tpu.vector_store_idx %arg8[%sub3A_404], %add3A_410 masked %lt3A_284 : memref<16384xi32, #tpu.memory_space<vmem>>[vector<16xi32>], vector<16xi32>, vector<16xi1>
        scf.yield %add3A_330 : vector<16xi32>
      }
      %scan3A_138 = arith.constant 128 : i32
      %reduce_max3A_139 = arith.constant true
      %reduce_max3A_140 = vector.broadcast %reduce_max3A_139 : i1 to vector<16xi1>
      %reduce_max3A_141 = arith.constant -2147483648 : i32
      %reduce_max3A_142 = vector.broadcast %reduce_max3A_141 : i32 to vector<16xi32>
      %reduce_max3A_143 = arith.xori %scan3A_137, %reduce_max3A_142 : vector<16xi32>
      %reduce_max3A_144 = tpu.scan <max>, %reduce_max3A_143 masked %reduce_max3A_140 : vector<16xi32>, vector<16xi1> -> vector<16xi32>
      %reduce_max3A_145 = arith.xori %reduce_max3A_144, %reduce_max3A_142 : vector<16xi32>
      %reduce_max3A_146 = vector.extract %reduce_max3A_145[15] : i32 from vector<16xi32>
      %lt3A_147 = arith.constant 64 : i32
      %lt3A_148 = arith.cmpi slt, %reduce_max3A_146, %lt3A_147 : i32
      %convert_element_type3A_149 = arith.extui %lt3A_148 : i1 to i32
      %cond3A_150 = arith.constant 0 : i32
      %cond3A_151 = arith.cmpi ne, %convert_element_type3A_149, %cond3A_150 : i32
      scf.if %cond3A_151 {
        %broadcast_in_dim3A_225 = arith.constant 0x7F800000 : f32
        %broadcast_in_dim3A_226 = vector.broadcast %broadcast_in_dim3A_225 : f32 to vector<16xf32>
        %scan3A_227 = arith.constant 0 : i32
        %scan3A_228 = arith.constant 128 : i32
        %scan3A_229 = arith.addi %scan3A_227, %scan3A_228 : i32
        %scan3A_230 = arith.constant 1 : i32
        %scan3A_231 = scf.for %scan3A_233 = %scan3A_227 to %scan3A_229 step %scan3A_230 iter_args(%scan3A_234 = %broadcast_in_dim3A_7) -> (vector<16xi32>)  : i32 {
          %mul3A_235 = arith.constant 8 : i32
          %mul3A_236 = arith.muli %scan3A_233, %mul3A_235 : i32
          %add3A_237 = arith.constant 0 : i32
          %add3A_238 = arith.addi %mul3A_236, %add3A_237 : i32
          %mul3A_239 = arith.constant 16 : i32
          %mul3A_240 = arith.muli %add3A_238, %mul3A_239 : i32
          %get3A_241 = arith.index_cast %mul3A_240 : i32 to index
          %get3A_242 = tpu.vector_load %arg7[%get3A_241] {strides = array<i32>} : memref<16384xf32, #tpu.memory_space<vmem>>, vector<16xf32>,
          %add3A_243 = arith.constant 1 : i32
          %add3A_244 = arith.addi %mul3A_236, %add3A_243 : i32
          %mul3A_245 = arith.constant 16 : i32
          %mul3A_246 = arith.muli %add3A_244, %mul3A_245 : i32
          %get3A_247 = arith.index_cast %mul3A_246 : i32 to index
          %get3A_248 = tpu.vector_load %arg7[%get3A_247] {strides = array<i32>} : memref<16384xf32, #tpu.memory_space<vmem>>, vector<16xf32>,
          %add3A_249 = arith.constant 2 : i32
          %add3A_250 = arith.addi %mul3A_236, %add3A_249 : i32
          %mul3A_251 = arith.constant 16 : i32
          %mul3A_252 = arith.muli %add3A_250, %mul3A_251 : i32
          %get3A_253 = arith.index_cast %mul3A_252 : i32 to index
          %get3A_254 = tpu.vector_load %arg7[%get3A_253] {strides = array<i32>} : memref<16384xf32, #tpu.memory_space<vmem>>, vector<16xf32>,
          %add3A_255 = arith.constant 3 : i32
          %add3A_256 = arith.addi %mul3A_236, %add3A_255 : i32
          %mul3A_257 = arith.constant 16 : i32
          %mul3A_258 = arith.muli %add3A_256, %mul3A_257 : i32
          %get3A_259 = arith.index_cast %mul3A_258 : i32 to index
          %get3A_260 = tpu.vector_load %arg7[%get3A_259] {strides = array<i32>} : memref<16384xf32, #tpu.memory_space<vmem>>, vector<16xf32>,
          %add3A_261 = arith.constant 4 : i32
          %add3A_262 = arith.addi %mul3A_236, %add3A_261 : i32
          %mul3A_263 = arith.constant 16 : i32
          %mul3A_264 = arith.muli %add3A_262, %mul3A_263 : i32
          %get3A_265 = arith.index_cast %mul3A_264 : i32 to index
          %get3A_266 = tpu.vector_load %arg7[%get3A_265] {strides = array<i32>} : memref<16384xf32, #tpu.memory_space<vmem>>, vector<16xf32>,
          %add3A_267 = arith.constant 5 : i32
          %add3A_268 = arith.addi %mul3A_236, %add3A_267 : i32
          %mul3A_269 = arith.constant 16 : i32
          %mul3A_270 = arith.muli %add3A_268, %mul3A_269 : i32
          %get3A_271 = arith.index_cast %mul3A_270 : i32 to index
          %get3A_272 = tpu.vector_load %arg7[%get3A_271] {strides = array<i32>} : memref<16384xf32, #tpu.memory_space<vmem>>, vector<16xf32>,
          %add3A_273 = arith.constant 6 : i32
          %add3A_274 = arith.addi %mul3A_236, %add3A_273 : i32
          %mul3A_275 = arith.constant 16 : i32
          %mul3A_276 = arith.muli %add3A_274, %mul3A_275 : i32
          %get3A_277 = arith.index_cast %mul3A_276 : i32 to index
          %get3A_278 = tpu.vector_load %arg7[%get3A_277] {strides = array<i32>} : memref<16384xf32, #tpu.memory_space<vmem>>, vector<16xf32>,
          %add3A_279 = arith.constant 7 : i32
          %add3A_280 = arith.addi %mul3A_236, %add3A_279 : i32
          %mul3A_281 = arith.constant 16 : i32
          %mul3A_282 = arith.muli %add3A_280, %mul3A_281 : i32
          %get3A_283 = arith.index_cast %mul3A_282 : i32 to index
          %get3A_284 = tpu.vector_load %arg7[%get3A_283] {strides = array<i32>} : memref<16384xf32, #tpu.memory_space<vmem>>, vector<16xf32>,
          %lt3A_285 = arith.cmpf olt, %get3A_242, %broadcast_in_dim3A_226 : vector<16xf32>
          %lt3A_286 = arith.cmpf olt, %get3A_248, %broadcast_in_dim3A_226 : vector<16xf32>
          %lt3A_287 = arith.cmpf olt, %get3A_254, %broadcast_in_dim3A_226 : vector<16xf32>
          %lt3A_288 = arith.cmpf olt, %get3A_260, %broadcast_in_dim3A_226 : vector<16xf32>
          %lt3A_289 = arith.cmpf olt, %get3A_266, %broadcast_in_dim3A_226 : vector<16xf32>
          %lt3A_290 = arith.cmpf olt, %get3A_272, %broadcast_in_dim3A_226 : vector<16xf32>
          %lt3A_291 = arith.cmpf olt, %get3A_278, %broadcast_in_dim3A_226 : vector<16xf32>
          %lt3A_292 = arith.cmpf olt, %get3A_284, %broadcast_in_dim3A_226 : vector<16xf32>
          %convert_element_type3A_293 = arith.extui %lt3A_285 : vector<16xi1> to vector<16xi32>
          %broadcast_in_dim3A_294 = arith.constant true
          %broadcast_in_dim3A_295 = vector.broadcast %broadcast_in_dim3A_294 : i1 to vector<16xi1>
          %masked_cumsum3A = tpu.scan <sum>, %convert_element_type3A_293 masked %broadcast_in_dim3A_295 : vector<16xi32>, vector<16xi1> -> vector<16xi32>
          %convert_element_type3A_296 = arith.extui %lt3A_286 : vector<16xi1> to vector<16xi32>
          %broadcast_in_dim3A_297 = arith.constant true
          %broadcast_in_dim3A_298 = vector.broadcast %broadcast_in_dim3A_297 : i1 to vector<16xi1>
          %masked_cumsum3A_299 = tpu.scan <sum>, %convert_element_type3A_296 masked %broadcast_in_dim3A_298 : vector<16xi32>, vector<16xi1> -> vector<16xi32>
          %convert_element_type3A_300 = arith.extui %lt3A_287 : vector<16xi1> to vector<16xi32>
          %broadcast_in_dim3A_301 = arith.constant true
          %broadcast_in_dim3A_302 = vector.broadcast %broadcast_in_dim3A_301 : i1 to vector<16xi1>
          %masked_cumsum3A_303 = tpu.scan <sum>, %convert_element_type3A_300 masked %broadcast_in_dim3A_302 : vector<16xi32>, vector<16xi1> -> vector<16xi32>
          %convert_element_type3A_304 = arith.extui %lt3A_288 : vector<16xi1> to vector<16xi32>
          %broadcast_in_dim3A_305 = arith.constant true
          %broadcast_in_dim3A_306 = vector.broadcast %broadcast_in_dim3A_305 : i1 to vector<16xi1>
          %masked_cumsum3A_307 = tpu.scan <sum>, %convert_element_type3A_304 masked %broadcast_in_dim3A_306 : vector<16xi32>, vector<16xi1> -> vector<16xi32>
          %convert_element_type3A_308 = arith.extui %lt3A_289 : vector<16xi1> to vector<16xi32>
          %broadcast_in_dim3A_309 = arith.constant true
          %broadcast_in_dim3A_310 = vector.broadcast %broadcast_in_dim3A_309 : i1 to vector<16xi1>
          %masked_cumsum3A_311 = tpu.scan <sum>, %convert_element_type3A_308 masked %broadcast_in_dim3A_310 : vector<16xi32>, vector<16xi1> -> vector<16xi32>
          %convert_element_type3A_312 = arith.extui %lt3A_290 : vector<16xi1> to vector<16xi32>
          %broadcast_in_dim3A_313 = arith.constant true
          %broadcast_in_dim3A_314 = vector.broadcast %broadcast_in_dim3A_313 : i1 to vector<16xi1>
          %masked_cumsum3A_315 = tpu.scan <sum>, %convert_element_type3A_312 masked %broadcast_in_dim3A_314 : vector<16xi32>, vector<16xi1> -> vector<16xi32>
          %convert_element_type3A_316 = arith.extui %lt3A_291 : vector<16xi1> to vector<16xi32>
          %broadcast_in_dim3A_317 = arith.constant true
          %broadcast_in_dim3A_318 = vector.broadcast %broadcast_in_dim3A_317 : i1 to vector<16xi1>
          %masked_cumsum3A_319 = tpu.scan <sum>, %convert_element_type3A_316 masked %broadcast_in_dim3A_318 : vector<16xi32>, vector<16xi1> -> vector<16xi32>
          %convert_element_type3A_320 = arith.extui %lt3A_292 : vector<16xi1> to vector<16xi32>
          %broadcast_in_dim3A_321 = arith.constant true
          %broadcast_in_dim3A_322 = vector.broadcast %broadcast_in_dim3A_321 : i1 to vector<16xi1>
          %masked_cumsum3A_323 = tpu.scan <sum>, %convert_element_type3A_320 masked %broadcast_in_dim3A_322 : vector<16xi32>, vector<16xi1> -> vector<16xi32>
          %all_reduce_population_count3A = tpu.all_reduce %lt3A_285 {dim = 0 : i64, kind = #tpu.reduction_kind<sum>} : vector<16xi1> -> vector<16xi32>
          %all_reduce_population_count3A_324 = tpu.all_reduce %lt3A_286 {dim = 0 : i64, kind = #tpu.reduction_kind<sum>} : vector<16xi1> -> vector<16xi32>
          %all_reduce_population_count3A_325 = tpu.all_reduce %lt3A_287 {dim = 0 : i64, kind = #tpu.reduction_kind<sum>} : vector<16xi1> -> vector<16xi32>
          %all_reduce_population_count3A_326 = tpu.all_reduce %lt3A_288 {dim = 0 : i64, kind = #tpu.reduction_kind<sum>} : vector<16xi1> -> vector<16xi32>
          %all_reduce_population_count3A_327 = tpu.all_reduce %lt3A_289 {dim = 0 : i64, kind = #tpu.reduction_kind<sum>} : vector<16xi1> -> vector<16xi32>
          %all_reduce_population_count3A_328 = tpu.all_reduce %lt3A_290 {dim = 0 : i64, kind = #tpu.reduction_kind<sum>} : vector<16xi1> -> vector<16xi32>
          %all_reduce_population_count3A_329 = tpu.all_reduce %lt3A_291 {dim = 0 : i64, kind = #tpu.reduction_kind<sum>} : vector<16xi1> -> vector<16xi32>
          %all_reduce_population_count3A_330 = tpu.all_reduce %lt3A_292 {dim = 0 : i64, kind = #tpu.reduction_kind<sum>} : vector<16xi1> -> vector<16xi32>
          %add3A_331 = arith.addi %scan3A_234, %all_reduce_population_count3A : vector<16xi32>
          %add3A_332 = arith.addi %add3A_331, %all_reduce_population_count3A_324 : vector<16xi32>
          %add3A_333 = arith.addi %add3A_332, %all_reduce_population_count3A_325 : vector<16xi32>
          %add3A_334 = arith.addi %add3A_333, %all_reduce_population_count3A_326 : vector<16xi32>
          %add3A_335 = arith.addi %add3A_334, %all_reduce_population_count3A_327 : vector<16xi32>
          %add3A_336 = arith.addi %add3A_335, %all_reduce_population_count3A_328 : vector<16xi32>
          %add3A_337 = arith.addi %add3A_336, %all_reduce_population_count3A_329 : vector<16xi32>
          %add3A_338 = arith.addi %add3A_337, %all_reduce_population_count3A_330 : vector<16xi32>
          %add3A_339 = arith.addi %scan3A_234, %masked_cumsum3A : vector<16xi32>
          %sub3A_340 = arith.constant 1 : i32
          %sub3A_341 = vector.broadcast %sub3A_340 : i32 to vector<16xi32>
          %sub3A_342 = arith.subi %add3A_339, %sub3A_341 : vector<16xi32>
          %add3A_343 = arith.constant 0 : i32
          %add3A_344 = arith.addi %mul3A_236, %add3A_343 : i32
          %mul3A_345 = arith.constant 16 : i32
          %mul3A_346 = arith.muli %add3A_344, %mul3A_345 : i32
          %add3A_347 = vector.broadcast %mul3A_346 : i32 to vector<16xi32>
          %add3A_348 = arith.addi %iota3A, %add3A_347 : vector<16xi32>
          tpu.vector_store_idx %arg8[%sub3A_342], %add3A_348 masked %lt3A_285 : memref<16384xi32, #tpu.memory_space<vmem>>[vector<16xi32>], vector<16xi32>, vector<16xi1>
          %add3A_349 = arith.addi %add3A_331, %masked_cumsum3A_299 : vector<16xi32>
          %sub3A_350 = arith.constant 1 : i32
          %sub3A_351 = vector.broadcast %sub3A_350 : i32 to vector<16xi32>
          %sub3A_352 = arith.subi %add3A_349, %sub3A_351 : vector<16xi32>
          %add3A_353 = arith.constant 1 : i32
          %add3A_354 = arith.addi %mul3A_236, %add3A_353 : i32
          %mul3A_355 = arith.constant 16 : i32
          %mul3A_356 = arith.muli %add3A_354, %mul3A_355 : i32
          %add3A_357 = vector.broadcast %mul3A_356 : i32 to vector<16xi32>
          %add3A_358 = arith.addi %iota3A, %add3A_357 : vector<16xi32>
          tpu.vector_store_idx %arg8[%sub3A_352], %add3A_358 masked %lt3A_286 : memref<16384xi32, #tpu.memory_space<vmem>>[vector<16xi32>], vector<16xi32>, vector<16xi1>
          %add3A_359 = arith.addi %add3A_332, %masked_cumsum3A_303 : vector<16xi32>
          %sub3A_360 = arith.constant 1 : i32
          %sub3A_361 = vector.broadcast %sub3A_360 : i32 to vector<16xi32>
          %sub3A_362 = arith.subi %add3A_359, %sub3A_361 : vector<16xi32>
          %add3A_363 = arith.constant 2 : i32
          %add3A_364 = arith.addi %mul3A_236, %add3A_363 : i32
          %mul3A_365 = arith.constant 16 : i32
          %mul3A_366 = arith.muli %add3A_364, %mul3A_365 : i32
          %add3A_367 = vector.broadcast %mul3A_366 : i32 to vector<16xi32>
          %add3A_368 = arith.addi %iota3A, %add3A_367 : vector<16xi32>
          tpu.vector_store_idx %arg8[%sub3A_362], %add3A_368 masked %lt3A_287 : memref<16384xi32, #tpu.memory_space<vmem>>[vector<16xi32>], vector<16xi32>, vector<16xi1>
          %add3A_369 = arith.addi %add3A_333, %masked_cumsum3A_307 : vector<16xi32>
          %sub3A_370 = arith.constant 1 : i32
          %sub3A_371 = vector.broadcast %sub3A_370 : i32 to vector<16xi32>
          %sub3A_372 = arith.subi %add3A_369, %sub3A_371 : vector<16xi32>
          %add3A_373 = arith.constant 3 : i32
          %add3A_374 = arith.addi %mul3A_236, %add3A_373 : i32
          %mul3A_375 = arith.constant 16 : i32
          %mul3A_376 = arith.muli %add3A_374, %mul3A_375 : i32
          %add3A_377 = vector.broadcast %mul3A_376 : i32 to vector<16xi32>
          %add3A_378 = arith.addi %iota3A, %add3A_377 : vector<16xi32>
          tpu.vector_store_idx %arg8[%sub3A_372], %add3A_378 masked %lt3A_288 : memref<16384xi32, #tpu.memory_space<vmem>>[vector<16xi32>], vector<16xi32>, vector<16xi1>
          %add3A_379 = arith.addi %add3A_334, %masked_cumsum3A_311 : vector<16xi32>
          %sub3A_380 = arith.constant 1 : i32
          %sub3A_381 = vector.broadcast %sub3A_380 : i32 to vector<16xi32>
          %sub3A_382 = arith.subi %add3A_379, %sub3A_381 : vector<16xi32>
          %add3A_383 = arith.constant 4 : i32
          %add3A_384 = arith.addi %mul3A_236, %add3A_383 : i32
          %mul3A_385 = arith.constant 16 : i32
          %mul3A_386 = arith.muli %add3A_384, %mul3A_385 : i32
          %add3A_387 = vector.broadcast %mul3A_386 : i32 to vector<16xi32>
          %add3A_388 = arith.addi %iota3A, %add3A_387 : vector<16xi32>
          tpu.vector_store_idx %arg8[%sub3A_382], %add3A_388 masked %lt3A_289 : memref<16384xi32, #tpu.memory_space<vmem>>[vector<16xi32>], vector<16xi32>, vector<16xi1>
          %add3A_389 = arith.addi %add3A_335, %masked_cumsum3A_315 : vector<16xi32>
          %sub3A_390 = arith.constant 1 : i32
          %sub3A_391 = vector.broadcast %sub3A_390 : i32 to vector<16xi32>
          %sub3A_392 = arith.subi %add3A_389, %sub3A_391 : vector<16xi32>
          %add3A_393 = arith.constant 5 : i32
          %add3A_394 = arith.addi %mul3A_236, %add3A_393 : i32
          %mul3A_395 = arith.constant 16 : i32
          %mul3A_396 = arith.muli %add3A_394, %mul3A_395 : i32
          %add3A_397 = vector.broadcast %mul3A_396 : i32 to vector<16xi32>
          %add3A_398 = arith.addi %iota3A, %add3A_397 : vector<16xi32>
          tpu.vector_store_idx %arg8[%sub3A_392], %add3A_398 masked %lt3A_290 : memref<16384xi32, #tpu.memory_space<vmem>>[vector<16xi32>], vector<16xi32>, vector<16xi1>
          %add3A_399 = arith.addi %add3A_336, %masked_cumsum3A_319 : vector<16xi32>
          %sub3A_400 = arith.constant 1 : i32
          %sub3A_401 = vector.broadcast %sub3A_400 : i32 to vector<16xi32>
          %sub3A_402 = arith.subi %add3A_399, %sub3A_401 : vector<16xi32>
          %add3A_403 = arith.constant 6 : i32
          %add3A_404 = arith.addi %mul3A_236, %add3A_403 : i32
          %mul3A_405 = arith.constant 16 : i32
          %mul3A_406 = arith.muli %add3A_404, %mul3A_405 : i32
          %add3A_407 = vector.broadcast %mul3A_406 : i32 to vector<16xi32>
          %add3A_408 = arith.addi %iota3A, %add3A_407 : vector<16xi32>
          tpu.vector_store_idx %arg8[%sub3A_402], %add3A_408 masked %lt3A_291 : memref<16384xi32, #tpu.memory_space<vmem>>[vector<16xi32>], vector<16xi32>, vector<16xi1>
          %add3A_409 = arith.addi %add3A_337, %masked_cumsum3A_323 : vector<16xi32>
          %sub3A_410 = arith.constant 1 : i32
          %sub3A_411 = vector.broadcast %sub3A_410 : i32 to vector<16xi32>
          %sub3A_412 = arith.subi %add3A_409, %sub3A_411 : vector<16xi32>
          %add3A_413 = arith.constant 7 : i32
          %add3A_414 = arith.addi %mul3A_236, %add3A_413 : i32
          %mul3A_415 = arith.constant 16 : i32
          %mul3A_416 = arith.muli %add3A_414, %mul3A_415 : i32
          %add3A_417 = vector.broadcast %mul3A_416 : i32 to vector<16xi32>
          %add3A_418 = arith.addi %iota3A, %add3A_417 : vector<16xi32>
          tpu.vector_store_idx %arg8[%sub3A_412], %add3A_418 masked %lt3A_292 : memref<16384xi32, #tpu.memory_space<vmem>>[vector<16xi32>], vector<16xi32>, vector<16xi1>
          scf.yield %add3A_338 : vector<16xi32>
        }
        %scan3A_232 = arith.constant 128 : i32
      } else {
      }
      %lt3A_152 = arith.constant 64 : i32
      %lt3A_153 = arith.cmpi slt, %reduce_max3A_146, %lt3A_152 : i32
      %jit3A_154 = arith.constant 16384 : i32
      %select_n3A_155 = arith.select %lt3A_153, %jit3A_154, %reduce_max3A_146 : i32
      %add3A_156 = arith.constant 16 : i32
      %add3A_157 = arith.addi %select_n3A_155, %add3A_156 : i32
      %sub3A_158 = arith.constant 1 : i32
      %sub3A_159 = arith.subi %add3A_157, %sub3A_158 : i32
      %shift_right_arithmetic3A_160 = arith.constant 4 : i32
      %shift_right_arithmetic3A_161 = arith.shrsi %sub3A_159, %shift_right_arithmetic3A_160 : i32
      %broadcast_in_dim3A_162 = arith.constant 2139095039 : i32
      %broadcast_in_dim3A_163 = vector.broadcast %broadcast_in_dim3A_162 : i32 to vector<16xi32>
      %scan3A_164 = arith.constant 0 : i32
      %scan3A_165 = arith.constant 31 : i32
      %scan3A_166 = arith.addi %scan3A_164, %scan3A_165 : i32
      %scan3A_167 = arith.constant 1 : i32
      %scan3A_168:2 = scf.for %scan3A_225 = %scan3A_164 to %scan3A_166 step %scan3A_167 iter_args(%scan3A_226 = %broadcast_in_dim3A_7, %scan3A_227 = %broadcast_in_dim3A_163) -> (vector<16xi32>, vector<16xi32>)  : i32 {
        %sub3A_228 = arith.subi %scan3A_227, %scan3A_226 : vector<16xi32>
        %shift_right_arithmetic3A_229 = arith.constant 1 : i32
        %shift_right_arithmetic3A_230 = vector.broadcast %shift_right_arithmetic3A_229 : i32 to vector<16xi32>
        %shift_right_arithmetic3A_231 = arith.shrsi %sub3A_228, %shift_right_arithmetic3A_230 : vector<16xi32>
        %add3A_232 = arith.addi %scan3A_226, %shift_right_arithmetic3A_231 : vector<16xi32>
        %while3A_233 = arith.constant 0 : i32
        %while3A_234 = arith.subi %shift_right_arithmetic3A_161, %while3A_233 : i32
        %while3A_235 = arith.addi %while3A_233, %while3A_234 : i32
        %while3A_236 = arith.constant 1 : i32
        %while3A_237 = arith.divsi %while3A_234, %while3A_236 : i32
        %while3A_238 = arith.muli %while3A_237, %while3A_236 : i32
        %while3A_239 = arith.addi %while3A_233, %while3A_238 : i32
        %while3A_240 = arith.constant 1 : i32
        %while3A_241 = scf.for %while3A_251 = %while3A_233 to %while3A_239 step %while3A_240 iter_args(%while3A_252 = %broadcast_in_dim3A_7) -> (vector<16xi32>)  : i32 {
          %mul3A_253 = arith.constant 16 : i32
          %mul3A_254 = arith.muli %while3A_251, %mul3A_253 : i32
          %add3A_255 = vector.broadcast %mul3A_254 : i32 to vector<16xi32>
          %add3A_256 = arith.addi %iota3A, %add3A_255 : vector<16xi32>
          %lt3A_257 = vector.broadcast %select_n3A_155 : i32 to vector<16xi32>
          %lt3A_258 = arith.cmpi slt, %add3A_256, %lt3A_257 : vector<16xi32>
          %mul3A_259 = arith.constant 16 : i32
          %mul3A_260 = arith.muli %while3A_251, %mul3A_259 : i32
          %get3A_261 = arith.index_cast %mul3A_260 : i32 to index
          %get3A_262 = tpu.vector_load %arg8[%get3A_261] {strides = array<i32>} : memref<16384xi32, #tpu.memory_space<vmem>>, vector<16xi32>,
          %gather3A = tpu.vector_load_idx %arg7[%get3A_262] masked %lt3A_258 : memref<16384xf32, #tpu.memory_space<vmem>>[vector<16xi32>], vector<16xf32>, vector<16xi1>
          %bitcast3A = vector.bitcast %gather3A : vector<16xf32> to vector<16xi32>
          %le3A = arith.cmpi sle, %bitcast3A, %add3A_232 : vector<16xi32>
          %and3A_263 = arith.andi %lt3A_258, %le3A : vector<16xi1>
          %all_reduce_population_count3A = tpu.all_reduce %and3A_263 {dim = 0 : i64, kind = #tpu.reduction_kind<sum>} : vector<16xi1> -> vector<16xi32>
          %add3A_264 = arith.addi %while3A_252, %all_reduce_population_count3A : vector<16xi32>
          scf.yield %add3A_264 : vector<16xi32>
        }
        %while3A_242 = arith.constant 1 : i32
        %while3A_243 = scf.for %while3A_251 = %while3A_239 to %while3A_235 step %while3A_242 iter_args(%while3A_252 = %while3A_241) -> (vector<16xi32>)  : i32 {
          %mul3A_253 = arith.constant 16 : i32
          %mul3A_254 = arith.muli %while3A_251, %mul3A_253 : i32
          %add3A_255 = vector.broadcast %mul3A_254 : i32 to vector<16xi32>
          %add3A_256 = arith.addi %iota3A, %add3A_255 : vector<16xi32>
          %lt3A_257 = vector.broadcast %select_n3A_155 : i32 to vector<16xi32>
          %lt3A_258 = arith.cmpi slt, %add3A_256, %lt3A_257 : vector<16xi32>
          %mul3A_259 = arith.constant 16 : i32
          %mul3A_260 = arith.muli %while3A_251, %mul3A_259 : i32
          %get3A_261 = arith.index_cast %mul3A_260 : i32 to index
          %get3A_262 = tpu.vector_load %arg8[%get3A_261] {strides = array<i32>} : memref<16384xi32, #tpu.memory_space<vmem>>, vector<16xi32>,
          %gather3A = tpu.vector_load_idx %arg7[%get3A_262] masked %lt3A_258 : memref<16384xf32, #tpu.memory_space<vmem>>[vector<16xi32>], vector<16xf32>, vector<16xi1>
          %bitcast3A = vector.bitcast %gather3A : vector<16xf32> to vector<16xi32>
          %le3A = arith.cmpi sle, %bitcast3A, %add3A_232 : vector<16xi32>
          %and3A_263 = arith.andi %lt3A_258, %le3A : vector<16xi1>
          %all_reduce_population_count3A = tpu.all_reduce %and3A_263 {dim = 0 : i64, kind = #tpu.reduction_kind<sum>} : vector<16xi1> -> vector<16xi32>
          %add3A_264 = arith.addi %while3A_252, %all_reduce_population_count3A : vector<16xi32>
          scf.yield %add3A_264 : vector<16xi32>
        }
        %ge3A = arith.constant 64 : i32
        %ge3A_244 = vector.broadcast %ge3A : i32 to vector<16xi32>
        %ge3A_245 = arith.cmpi sge, %while3A_243, %ge3A_244 : vector<16xi32>
        %add3A_246 = arith.constant 1 : i32
        %add3A_247 = vector.broadcast %add3A_246 : i32 to vector<16xi32>
        %add3A_248 = arith.addi %add3A_232, %add3A_247 : vector<16xi32>
        %select_n3A_249 = arith.select %ge3A_245, %scan3A_226, %add3A_248 : vector<16xi1>, vector<16xi32>
        %select_n3A_250 = arith.select %ge3A_245, %add3A_232, %scan3A_227 : vector<16xi1>, vector<16xi32>
        scf.yield %select_n3A_249, %select_n3A_250 : vector<16xi32>, vector<16xi32>
      }
      %scan3A_169 = arith.constant 31 : i32
      %sub3A_170 = arith.constant 1 : i32
      %sub3A_171 = vector.broadcast %sub3A_170 : i32 to vector<16xi32>
      %sub3A_172 = arith.subi %scan3A_168#0, %sub3A_171 : vector<16xi32>
      %while3A_173 = arith.constant 0 : i32
      %while3A_174 = arith.subi %shift_right_arithmetic3A_161, %while3A_173 : i32
      %while3A_175 = arith.addi %while3A_173, %while3A_174 : i32
      %while3A_176 = arith.constant 1 : i32
      %while3A_177 = arith.divsi %while3A_174, %while3A_176 : i32
      %while3A_178 = arith.muli %while3A_177, %while3A_176 : i32
      %while3A_179 = arith.addi %while3A_173, %while3A_178 : i32
      %while3A_180 = arith.constant 1 : i32
      %while3A_181 = scf.for %while3A_225 = %while3A_173 to %while3A_179 step %while3A_180 iter_args(%while3A_226 = %broadcast_in_dim3A_7) -> (vector<16xi32>)  : i32 {
        %mul3A_227 = arith.constant 16 : i32
        %mul3A_228 = arith.muli %while3A_225, %mul3A_227 : i32
        %add3A_229 = vector.broadcast %mul3A_228 : i32 to vector<16xi32>
        %add3A_230 = arith.addi %iota3A, %add3A_229 : vector<16xi32>
        %lt3A_231 = vector.broadcast %select_n3A_155 : i32 to vector<16xi32>
        %lt3A_232 = arith.cmpi slt, %add3A_230, %lt3A_231 : vector<16xi32>
        %mul3A_233 = arith.constant 16 : i32
        %mul3A_234 = arith.muli %while3A_225, %mul3A_233 : i32
        %get3A_235 = arith.index_cast %mul3A_234 : i32 to index
        %get3A_236 = tpu.vector_load %arg8[%get3A_235] {strides = array<i32>} : memref<16384xi32, #tpu.memory_space<vmem>>, vector<16xi32>,
        %gather3A = tpu.vector_load_idx %arg7[%get3A_236] masked %lt3A_232 : memref<16384xf32, #tpu.memory_space<vmem>>[vector<16xi32>], vector<16xf32>, vector<16xi1>
        %bitcast3A = vector.bitcast %gather3A : vector<16xf32> to vector<16xi32>
        %le3A = arith.cmpi sle, %bitcast3A, %sub3A_172 : vector<16xi32>
        %and3A_237 = arith.andi %lt3A_232, %le3A : vector<16xi1>
        %all_reduce_population_count3A = tpu.all_reduce %and3A_237 {dim = 0 : i64, kind = #tpu.reduction_kind<sum>} : vector<16xi1> -> vector<16xi32>
        %add3A_238 = arith.addi %while3A_226, %all_reduce_population_count3A : vector<16xi32>
        scf.yield %add3A_238 : vector<16xi32>
      }
      %while3A_182 = arith.constant 1 : i32
      %while3A_183 = scf.for %while3A_225 = %while3A_179 to %while3A_175 step %while3A_182 iter_args(%while3A_226 = %while3A_181) -> (vector<16xi32>)  : i32 {
        %mul3A_227 = arith.constant 16 : i32
        %mul3A_228 = arith.muli %while3A_225, %mul3A_227 : i32
        %add3A_229 = vector.broadcast %mul3A_228 : i32 to vector<16xi32>
        %add3A_230 = arith.addi %iota3A, %add3A_229 : vector<16xi32>
        %lt3A_231 = vector.broadcast %select_n3A_155 : i32 to vector<16xi32>
        %lt3A_232 = arith.cmpi slt, %add3A_230, %lt3A_231 : vector<16xi32>
        %mul3A_233 = arith.constant 16 : i32
        %mul3A_234 = arith.muli %while3A_225, %mul3A_233 : i32
        %get3A_235 = arith.index_cast %mul3A_234 : i32 to index
        %get3A_236 = tpu.vector_load %arg8[%get3A_235] {strides = array<i32>} : memref<16384xi32, #tpu.memory_space<vmem>>, vector<16xi32>,
        %gather3A = tpu.vector_load_idx %arg7[%get3A_236] masked %lt3A_232 : memref<16384xf32, #tpu.memory_space<vmem>>[vector<16xi32>], vector<16xf32>, vector<16xi1>
        %bitcast3A = vector.bitcast %gather3A : vector<16xf32> to vector<16xi32>
        %le3A = arith.cmpi sle, %bitcast3A, %sub3A_172 : vector<16xi32>
        %and3A_237 = arith.andi %lt3A_232, %le3A : vector<16xi1>
        %all_reduce_population_count3A = tpu.all_reduce %and3A_237 {dim = 0 : i64, kind = #tpu.reduction_kind<sum>} : vector<16xi1> -> vector<16xi32>
        %add3A_238 = arith.addi %while3A_226, %all_reduce_population_count3A : vector<16xi32>
        scf.yield %add3A_238 : vector<16xi32>
      }
      %sub3A_184 = arith.constant 64 : i32
      %sub3A_185 = vector.broadcast %sub3A_184 : i32 to vector<16xi32>
      %sub3A_186 = arith.subi %sub3A_185, %while3A_183 : vector<16xi32>
      %while3A_187 = arith.constant 0 : i32
      %while3A_188 = arith.subi %shift_right_arithmetic3A_161, %while3A_187 : i32
      %while3A_189 = arith.addi %while3A_187, %while3A_188 : i32
      %while3A_190 = arith.constant 1 : i32
      %while3A_191 = arith.divsi %while3A_188, %while3A_190 : i32
      %while3A_192 = arith.muli %while3A_191, %while3A_190 : i32
      %while3A_193 = arith.addi %while3A_187, %while3A_192 : i32
      %while3A_194 = arith.constant 1 : i32
      %while3A_195:3 = scf.for %while3A_225 = %while3A_187 to %while3A_193 step %while3A_194 iter_args(%while3A_226 = %broadcast_in_dim3A_5, %while3A_227 = %broadcast_in_dim3A_5, %while3A_228 = %broadcast_in_dim3A_7) -> (vector<16xf32>, vector<16xf32>, vector<16xi32>)  : i32 {
        %mul3A_229 = arith.constant 16 : i32
        %mul3A_230 = arith.muli %while3A_225, %mul3A_229 : i32
        %add3A_231 = vector.broadcast %mul3A_230 : i32 to vector<16xi32>
        %add3A_232 = arith.addi %iota3A, %add3A_231 : vector<16xi32>
        %lt3A_233 = vector.broadcast %select_n3A_155 : i32 to vector<16xi32>
        %lt3A_234 = arith.cmpi slt, %add3A_232, %lt3A_233 : vector<16xi32>
        %mul3A_235 = arith.constant 16 : i32
        %mul3A_236 = arith.muli %while3A_225, %mul3A_235 : i32
        %get3A_237 = arith.index_cast %mul3A_236 : i32 to index
        %get3A_238 = tpu.vector_load %arg8[%get3A_237] {strides = array<i32>} : memref<16384xi32, #tpu.memory_space<vmem>>, vector<16xi32>,
        %gather3A = tpu.vector_load_idx %arg7[%get3A_238] masked %lt3A_234 : memref<16384xf32, #tpu.memory_space<vmem>>[vector<16xi32>], vector<16xf32>, vector<16xi1>
        %bitcast3A = vector.bitcast %gather3A : vector<16xf32> to vector<16xi32>
        %eq3A_239 = arith.cmpi eq, %bitcast3A, %scan3A_168#0 : vector<16xi32>
        %and3A_240 = arith.andi %lt3A_234, %eq3A_239 : vector<16xi1>
        %convert_element_type3A_241 = arith.extui %and3A_240 : vector<16xi1> to vector<16xi32>
        %broadcast_in_dim3A_242 = arith.constant true
        %broadcast_in_dim3A_243 = vector.broadcast %broadcast_in_dim3A_242 : i1 to vector<16xi1>
        %masked_cumsum3A = tpu.scan <sum>, %convert_element_type3A_241 masked %broadcast_in_dim3A_243 : vector<16xi32>, vector<16xi1> -> vector<16xi32>
        %add3A_244 = arith.addi %masked_cumsum3A, %while3A_228 : vector<16xi32>
        %lt3A_245 = arith.cmpi slt, %bitcast3A, %scan3A_168#0 : vector<16xi32>
        %and3A_246 = arith.andi %lt3A_234, %lt3A_245 : vector<16xi1>
        %le3A = arith.cmpi sle, %add3A_244, %sub3A_186 : vector<16xi32>
        %and3A_247 = arith.andi %and3A_240, %le3A : vector<16xi1>
        %or3A = arith.ori %and3A_246, %and3A_247 : vector<16xi1>
        %gather3A_248 = tpu.vector_load_idx %arg9[%get3A_238] masked %or3A : memref<16384xf32, #tpu.memory_space<vmem>>[vector<16xi32>], vector<16xf32>, vector<16xi1>
        %jit3A_249 = arith.constant 0.000000e+00 : f32
        %broadcast_in_dim3A_250 = vector.broadcast %jit3A_249 : f32 to vector<16xf32>
        %select_n3A_251 = arith.select %or3A, %gather3A_248, %broadcast_in_dim3A_250 : vector<16xi1>, vector<16xf32>
        %neg3A = arith.constant 0.000000e+00 : f32
        %neg3A_252 = vector.broadcast %neg3A : f32 to vector<16xf32>
        %neg3A_253 = arith.subf %neg3A_252, %mul3A_4 : vector<16xf32>
        %mul3A_254 = arith.mulf %neg3A_253, %gather3A : vector<16xf32>
        %exp3A = math.exp %mul3A_254 : vector<16xf32>
        %jit3A_255 = arith.constant 0.000000e+00 : f32
        %broadcast_in_dim3A_256 = vector.broadcast %jit3A_255 : f32 to vector<16xf32>
        %select_n3A_257 = arith.select %or3A, %exp3A, %broadcast_in_dim3A_256 : vector<16xi1>, vector<16xf32>
        %all_reduce_population_count3A = tpu.all_reduce %and3A_240 {dim = 0 : i64, kind = #tpu.reduction_kind<sum>} : vector<16xi1> -> vector<16xi32>
        %add3A_258 = arith.addi %while3A_228, %all_reduce_population_count3A : vector<16xi32>
        %mul3A_259 = arith.mulf %select_n3A_257, %select_n3A_251 : vector<16xf32>
        %add3A_260 = arith.addf %while3A_226, %mul3A_259 : vector<16xf32>
        %add3A_261 = arith.addf %while3A_227, %select_n3A_257 : vector<16xf32>
        scf.yield %add3A_260, %add3A_261, %add3A_258 : vector<16xf32>, vector<16xf32>, vector<16xi32>
      }
      %while3A_196 = arith.constant 1 : i32
      %while3A_197:3 = scf.for %while3A_225 = %while3A_193 to %while3A_189 step %while3A_196 iter_args(%while3A_226 = %while3A_195#0, %while3A_227 = %while3A_195#1, %while3A_228 = %while3A_195#2) -> (vector<16xf32>, vector<16xf32>, vector<16xi32>)  : i32 {
        %mul3A_229 = arith.constant 16 : i32
        %mul3A_230 = arith.muli %while3A_225, %mul3A_229 : i32
        %add3A_231 = vector.broadcast %mul3A_230 : i32 to vector<16xi32>
        %add3A_232 = arith.addi %iota3A, %add3A_231 : vector<16xi32>
        %lt3A_233 = vector.broadcast %select_n3A_155 : i32 to vector<16xi32>
        %lt3A_234 = arith.cmpi slt, %add3A_232, %lt3A_233 : vector<16xi32>
        %mul3A_235 = arith.constant 16 : i32
        %mul3A_236 = arith.muli %while3A_225, %mul3A_235 : i32
        %get3A_237 = arith.index_cast %mul3A_236 : i32 to index
        %get3A_238 = tpu.vector_load %arg8[%get3A_237] {strides = array<i32>} : memref<16384xi32, #tpu.memory_space<vmem>>, vector<16xi32>,
        %gather3A = tpu.vector_load_idx %arg7[%get3A_238] masked %lt3A_234 : memref<16384xf32, #tpu.memory_space<vmem>>[vector<16xi32>], vector<16xf32>, vector<16xi1>
        %bitcast3A = vector.bitcast %gather3A : vector<16xf32> to vector<16xi32>
        %eq3A_239 = arith.cmpi eq, %bitcast3A, %scan3A_168#0 : vector<16xi32>
        %and3A_240 = arith.andi %lt3A_234, %eq3A_239 : vector<16xi1>
        %convert_element_type3A_241 = arith.extui %and3A_240 : vector<16xi1> to vector<16xi32>
        %broadcast_in_dim3A_242 = arith.constant true
        %broadcast_in_dim3A_243 = vector.broadcast %broadcast_in_dim3A_242 : i1 to vector<16xi1>
        %masked_cumsum3A = tpu.scan <sum>, %convert_element_type3A_241 masked %broadcast_in_dim3A_243 : vector<16xi32>, vector<16xi1> -> vector<16xi32>
        %add3A_244 = arith.addi %masked_cumsum3A, %while3A_228 : vector<16xi32>
        %lt3A_245 = arith.cmpi slt, %bitcast3A, %scan3A_168#0 : vector<16xi32>
        %and3A_246 = arith.andi %lt3A_234, %lt3A_245 : vector<16xi1>
        %le3A = arith.cmpi sle, %add3A_244, %sub3A_186 : vector<16xi32>
        %and3A_247 = arith.andi %and3A_240, %le3A : vector<16xi1>
        %or3A = arith.ori %and3A_246, %and3A_247 : vector<16xi1>
        %gather3A_248 = tpu.vector_load_idx %arg9[%get3A_238] masked %or3A : memref<16384xf32, #tpu.memory_space<vmem>>[vector<16xi32>], vector<16xf32>, vector<16xi1>
        %jit3A_249 = arith.constant 0.000000e+00 : f32
        %broadcast_in_dim3A_250 = vector.broadcast %jit3A_249 : f32 to vector<16xf32>
        %select_n3A_251 = arith.select %or3A, %gather3A_248, %broadcast_in_dim3A_250 : vector<16xi1>, vector<16xf32>
        %neg3A = arith.constant 0.000000e+00 : f32
        %neg3A_252 = vector.broadcast %neg3A : f32 to vector<16xf32>
        %neg3A_253 = arith.subf %neg3A_252, %mul3A_4 : vector<16xf32>
        %mul3A_254 = arith.mulf %neg3A_253, %gather3A : vector<16xf32>
        %exp3A = math.exp %mul3A_254 : vector<16xf32>
        %jit3A_255 = arith.constant 0.000000e+00 : f32
        %broadcast_in_dim3A_256 = vector.broadcast %jit3A_255 : f32 to vector<16xf32>
        %select_n3A_257 = arith.select %or3A, %exp3A, %broadcast_in_dim3A_256 : vector<16xi1>, vector<16xf32>
        %all_reduce_population_count3A = tpu.all_reduce %and3A_240 {dim = 0 : i64, kind = #tpu.reduction_kind<sum>} : vector<16xi1> -> vector<16xi32>
        %add3A_258 = arith.addi %while3A_228, %all_reduce_population_count3A : vector<16xi32>
        %mul3A_259 = arith.mulf %select_n3A_257, %select_n3A_251 : vector<16xf32>
        %add3A_260 = arith.addf %while3A_226, %mul3A_259 : vector<16xf32>
        %add3A_261 = arith.addf %while3A_227, %select_n3A_257 : vector<16xf32>
        scf.yield %add3A_260, %add3A_261, %add3A_258 : vector<16xf32>, vector<16xf32>, vector<16xi32>
      }
      %reduce_sum3A_198 = arith.constant true
      %reduce_sum3A_199 = vector.broadcast %reduce_sum3A_198 : i1 to vector<16xi1>
      %reduce_sum3A_200 = tpu.scan <sum>, %while3A_197#0 masked %reduce_sum3A_199 : vector<16xf32>, vector<16xi1> -> vector<16xf32>
      %reduce_sum3A_201 = vector.extract %reduce_sum3A_200[15] : f32 from vector<16xf32>
      %broadcast_in_dim3A_202 = vector.broadcast %reduce_sum3A_201 : f32 to vector<16xf32>
      %reduce_sum3A_203 = arith.constant true
      %reduce_sum3A_204 = vector.broadcast %reduce_sum3A_203 : i1 to vector<16xi1>
      %reduce_sum3A_205 = tpu.scan <sum>, %while3A_197#1 masked %reduce_sum3A_204 : vector<16xf32>, vector<16xi1> -> vector<16xf32>
      %reduce_sum3A_206 = vector.extract %reduce_sum3A_205[15] : f32 from vector<16xf32>
      %broadcast_in_dim3A_207 = vector.broadcast %reduce_sum3A_206 : f32 to vector<16xf32>
      %div3A_208 = arith.divf %broadcast_in_dim3A_202, %broadcast_in_dim3A_207 : vector<16xf32>
      %lt3A_209 = arith.constant 16 : i32
      %lt3A_210 = arith.cmpi slt, %add3A_130, %lt3A_209 : i32
      %eq3A_211 = vector.broadcast %add3A_130 : i32 to vector<16xi32>
      %eq3A_212 = arith.cmpi eq, %iota3A, %eq3A_211 : vector<16xi32>
      %and3A_213 = vector.broadcast %lt3A_210 : i1 to vector<16xi1>
      %and3A_214 = arith.andi %eq3A_212, %and3A_213 : vector<16xi1>
      %sub3A_215 = arith.constant 16 : i32
      %sub3A_216 = arith.subi %add3A_130, %sub3A_215 : i32
      %eq3A_217 = vector.broadcast %sub3A_216 : i32 to vector<16xi32>
      %eq3A_218 = arith.cmpi eq, %iota3A, %eq3A_217 : vector<16xi32>
      %not3A_219 = arith.constant true
      %not3A_220 = arith.xori %lt3A_210, %not3A_219 : i1
      %and3A_221 = vector.broadcast %not3A_220 : i1 to vector<16xi1>
      %and3A_222 = arith.andi %eq3A_218, %and3A_221 : vector<16xi1>
      %select_n3A_223 = arith.select %and3A_214, %div3A_208, %select_n3A_115 : vector<16xi1>, vector<16xf32>
      %select_n3A_224 = arith.select %and3A_222, %div3A_208, %select_n3A_116 : vector<16xi1>, vector<16xf32>
      scf.yield %select_n3A_223, %select_n3A_224 : vector<16xf32>, vector<16xf32>
    }
    %scan3A_17 = arith.constant 16 : i32
    %swap3A = arith.constant 0 : index
    %swap3A_18 = tpu.vector_load %arg11[%swap3A] {strides = array<i32>} : memref<32xf32, #tpu.memory_space<vmem>>, vector<16xf32>,
    tpu.vector_store %arg11[%swap3A], %scan3A_16#0 {strides = array<i32>} : memref<32xf32, #tpu.memory_space<vmem>>, vector<16xf32>,
    %swap3A_19 = arith.constant 16 : index
    %swap3A_20 = tpu.vector_load %arg11[%swap3A_19] {strides = array<i32>} : memref<32xf32, #tpu.memory_space<vmem>>, vector<16xf32>,
    tpu.vector_store %arg11[%swap3A_19], %scan3A_16#1 {strides = array<i32>} : memref<32xf32, #tpu.memory_space<vmem>>, vector<16xf32>,
    "tpu.region"() ({
      %run_scoped3A = tpu.sem_alloc : memref<!tpu.dma_semaphore, #tpu.memory_space<semaphore_mem>>
      %dma_start3A_21 = tpu.memref_slice %arg5[%mul3A_2] : memref<1024xf32, #tpu.memory_space<hbm>> -> memref<32xf32, #tpu.memory_space<hbm>>
      %dma_start3A_22 = tpu.memref_slice %arg5[%mul3A_2] : memref<1024xf32, #tpu.memory_space<hbm>> -> memref<32xf32, #tpu.memory_space<hbm>>
      tpu.enqueue_dma source(%arg11 : memref<32xf32, #tpu.memory_space<vmem>>) target(%dma_start3A_22 : memref<32xf32, #tpu.memory_space<hbm>>) target_semaphore(%run_scoped3A : memref<!tpu.dma_semaphore, #tpu.memory_space<semaphore_mem>>)
      %dma_wait3A = tpu.memref_slice %arg5[%mul3A_2] : memref<1024xf32, #tpu.memory_space<hbm>> -> memref<32xf32, #tpu.memory_space<hbm>>
      %dma_wait3A_23 = tpu.memref_slice %arg5[%mul3A_2] : memref<1024xf32, #tpu.memory_space<hbm>> -> memref<32xf32, #tpu.memory_space<hbm>>
      tpu.wait_dma2 semaphore(%run_scoped3A : memref<!tpu.dma_semaphore, #tpu.memory_space<semaphore_mem>>) src(%arg11 : memref<32xf32, #tpu.memory_space<vmem>>) dst(%dma_wait3A_23 : memref<32xf32, #tpu.memory_space<hbm>>)
      tpu.yield
    }) : () -> ()
    return
  }
}

</mosaic_0001>

<sc_bundles>
// kernel: kernel.3.cloned.1.call-start
scs
__scs_entry_jumppad:
0x0: {  	(pc) =	sbr.rel $0x88, $3  }
0x1: {  	(tag) =	ssettag $0x0;
	lr =	simm.s32 $0x1  }
0x2: {  	[smem:$0x3F9E] =	sst lr;
	_ =	strace $0xD0000000  }
0x3: {  	_ = 	snop  }
0x4: {  	_ = 	snop  }
0x5: {  	_ = 	snop  }
0x6: {  	_ = 	snop  }
0x7: {  	_ = 	snop  }
__scs_overlays_trampoline_lowered:
0x8: {  	[smem:$0x3FAD] =	sst s0  }
0x9: {  	[smem:$0x3FAE] =	sst s1  }
0xa: {  	[smem:$0x3FAF] =	sst s2  }
0xb: {  	[smem:$0x3FB0] =	sst s3  }
0xc: {  	[smem:$0x3FB1] =	sst s4  }
0xd: {  	[smem:$0x3FB2] =	sst s5  }
0xe: {  	[smem:$0x3FB3] =	sst s6  }
0xf: {  	[smem:$0x3FB4] =	sst s7  }
0x10: {  	[smem:$0x3FB5] =	sst s8  }
0x11: {  	[smem:$0x3FB6] =	sst s9;
	s0 =	simm.s32 @!p0 $0x0  }
0x12: {  	s1 =	sld [smem:$0x3F9C];
	s0 =	simm.s32 @p0 $0x1  }
0x13: {  	[smem:$0x3FB7] =	sst s0;
	s0 =	simm.s32 @!p1 $0x0  }
0x14: {  	s2 =	sld [smem:$0x3F9B];
	s0 =	simm.s32 @p1 $0x1  }
0x15: {  	[smem:$0x3FB8] =	sst s0;
	s0 =	simm.s32 @!p2 $0x0  }
0x16: {  	s3 =	sld [smem:$0x3FDB];
	s0 =	simm.s32 @p2 $0x1  }
0x17: {  	s4 =	simm.s32 $0x1BF5;
	[smem:$0x3FBA] =	sst s0  }
0x18: {  	s0 =	sld [smem:$0x3F9D];
	_ =	swait.ge [sflag:s4], $0x0  }
0x19: {  	s7 =	sld [smem:$0x3F9E]  }
0x1a: {  	s8 =	sadd.s32 $0xFFFFE003, lr  }
0x1b: {  	s9 =	sadd.s32 $0xFFFFFEF7, lr;
	s5 =	simm.s32 $0xFFFFFFFF;
	p2 =	slt.u32 s8, $0xFFFFF086  }
0x1c: {  	p1 =	slt.u32 s9, $0xF7A;
	s5 =	simm.s32 @!p2 $0x0  }
0x1d: {  	s5 =	simm.s32 @p1 $0x1;
	p0 =	seq.s32 s7, s2  }
0x1e: {  	s7 =	smul.u32 @!p0 $0xF7A, s2;
	p2 =	seq.s32 @!p0 s5, $0x0  }
0x1f: {  	s9 =	smul.u32 $0xF7A, s1;
	s8 =	simm.s32 @!p0 $0x1BF5;
	p2 =	por !p2, p0  }
0x20: {  	[sflag:s8] =	ssyncset.s32 @!p0 $0xFFFFF086;
	s6 =	sadd.s32 @!p0 s3, s7;
	s7 =	simm.s32 @!p0 $0x108  }
0x21: {  	s3 =	sadd.s32 s3, s9;
	s6 =	sadd.s32 @!p0 $0x88, s6;
	s7 =	simm.s32 @p2 $0x1082  }
0x22: {  	[simem:s7], [sflag:s8] =	dma.local @!p0 [hbm:s6], $0xF7A  }
0x23: {  	s9 =	sor.u32 $0xD0000000, s2;
	s6 =	simm.s32 $0x108;
	_ =	swait.ge @!p0 [sflag:s8], $0x0  }
0x24: {  	s3 =	sadd.s32 $0x88, s3;
	s6 =	simm.s32 @!p1 $0x1082;
	[sflag:s4] =	ssyncset.s32 $0xFFFFF086  }
0x25: {  	[simem:s6], [sflag:s4] =	dma.local [hbm:s3], $0xF7A  }
0x26: {  	[smem:$0x3F9E] =	sst s1;
	(tag) =	ssettag s2;
	_ =	strace s9  }
0x27: {  	s1 =	sld [smem:$0x3FAE]  }
0x28: {  	s2 =	sld [smem:$0x3FAF]  }
0x29: {  	s4 =	sld [smem:$0x3FB1]  }
0x2a: {  	p0 =	seq.s32 s5, $0x0;
	s5 =	sld [smem:$0x3FB2]  }
0x2b: {  	s6 =	sld [smem:$0x3FB3]  }
0x2c: {  	s7 =	sld [smem:$0x3FB4]  }
0x2d: {  	s3 =	simm.s32 $0x108;
	s8 =	sld [smem:$0x3FB5]  }
0x2e: {  	s3 =	simm.s32 @!p0 $0x1082;
	s9 =	sld [smem:$0x3FB6]  }
0x2f: {  	lr =	sadd.s32 s0, s3;
	s0 =	sld [smem:$0x3FAD]  }
0x30: {  	s3 =	sld [smem:$0x3FB0]  }
0x31: {  	[smem:$0x3FB9] =	sst s10  }
0x32: {  	s10 =	sld [smem:$0x3FB7];
	_ =	sdelay $0x3  }
0x33: {  	p0 =	seq.s32 s10, $0x1;
	s10 =	sld [smem:$0x3FB9];
	_ =	sdelay $0x3  }
0x34: {  	[smem:$0x3FB9] =	sst s10  }
0x35: {  	s10 =	sld [smem:$0x3FB8];
	_ =	sdelay $0x3  }
0x36: {  	p1 =	seq.s32 s10, $0x1;
	s10 =	sld [smem:$0x3FB9];
	_ =	sdelay $0x3  }
0x37: {  	[smem:$0x3FB9] =	sst s10  }
0x38: {  	s10 =	sld [smem:$0x3FBA]  }
0x39: {  	_ = 	snop;
	(pc) =	sbr.ind lr, $3  }
0x3a: {  	_ = 	snop  }
0x3b: {  	_ = 	snop  }
0x3c: {  	p2 =	seq.s32 s10, $0x1;
	s10 =	sld [smem:$0x3FB9]  }
0x3d: {  	_ =	shalt  }
0x3e: {  	_ =	shalt  }
0x3f: {  	_ =	shalt  }
0x40: {  	_ =	shalt  }
0x41: {  	_ =	shalt  }
0x42: {  	_ =	shalt  }
0x43: {  	_ =	shalt  }
0x44: {  	_ =	shalt  }
0x45: {  	_ =	shalt  }
0x46: {  	_ =	shalt  }
0x47: {  	_ =	shalt  }
0x48: {  	_ =	shalt  }
0x49: {  	_ =	shalt  }
0x4a: {  	_ =	shalt  }
0x4b: {  	_ =	shalt  }
0x4c: {  	_ =	shalt  }
0x4d: {  	_ =	shalt  }
0x4e: {  	_ =	shalt  }
0x4f: {  	_ =	shalt  }
0x50: {  	_ =	shalt  }
0x51: {  	_ =	shalt  }
0x52: {  	_ =	shalt  }
0x53: {  	_ =	shalt  }
0x54: {  	_ =	shalt  }
0x55: {  	_ =	shalt  }
0x56: {  	_ =	shalt  }
0x57: {  	_ =	shalt  }
0x58: {  	_ =	shalt  }
0x59: {  	_ =	shalt  }
0x5a: {  	_ =	shalt  }
0x5b: {  	_ =	shalt  }
0x5c: {  	_ =	shalt  }
0x5d: {  	_ =	shalt  }
0x5e: {  	_ =	shalt  }
0x5f: {  	_ =	shalt  }
0x60: {  	_ =	shalt  }
0x61: {  	_ =	shalt  }
0x62: {  	_ =	shalt  }
0x63: {  	_ =	shalt  }
0x64: {  	_ =	shalt  }
0x65: {  	_ =	shalt  }
0x66: {  	_ =	shalt  }
0x67: {  	_ =	shalt  }
0x68: {  	_ =	shalt  }
0x69: {  	_ =	shalt  }
0x6a: {  	_ =	shalt  }
0x6b: {  	_ =	shalt  }
0x6c: {  	_ =	shalt  }
0x6d: {  	_ =	shalt  }
0x6e: {  	_ =	shalt  }
0x6f: {  	_ =	shalt  }
0x70: {  	_ =	shalt  }
0x71: {  	_ =	shalt  }
0x72: {  	_ =	shalt  }
0x73: {  	_ =	shalt  }
0x74: {  	_ =	shalt  }
0x75: {  	_ =	shalt  }
0x76: {  	_ =	shalt  }
0x77: {  	_ =	shalt  }
0x78: {  	_ =	shalt  }
0x79: {  	_ =	shalt  }
0x7a: {  	_ =	shalt  }
0x7b: {  	_ =	shalt  }
0x7c: {  	_ =	shalt  }
0x7d: {  	_ =	shalt  }
0x7e: {  	_ =	shalt  }
0x7f: {  	_ =	shalt  }
0x80: {  	_ =	shalt  }
0x81: {  	_ =	shalt  }
0x82: {  	_ =	shalt  }
0x83: {  	_ =	shalt  }
0x84: {  	_ =	shalt  }
0x85: {  	_ =	shalt  }
0x86: {  	_ =	shalt  }
0x87: {  	_ =	shalt  }
.Lfunc_end0:
.L_simem_size_0:
called_computation_lowered:
.L_overlay_start_0:
0x88: {  	s2 =	sld [smem:$0x3FD9]  }
0x89: {  	s3 =	sld [smem:$0x3FFE];
	_ =	sdelay $0x1  }
0x8a: {  	s1 =	srdreg.scid  }
0x8b: {  	s0 =	sand.u32 $0x1, s1  }
0x8c: {  	s17 =	sshll.u32 s0, $0xA;
	s2 =	sadd.s32 s3, s2  }
0x8d: {  	s2 =	sadd.s32 s2, s17  }
0x8e: {  	[smem:$0x3FC5] =	sst s2  }
0x8f: {  	_ = 	snop  }
0x90: {  	s2 =	sld [smem:$0x3FC9]  }
0x91: {  	s18 =	sld [smem:$0x3FC8]  }
0x92: {  	s4 =	sld [smem:$0x3FD0];
	(tm) =	ssettm $0x1  }
0x93: {  	s5 =	sld [smem:$0x3FFB];
	_ =	sdelay $0x3  }
0x94: {  	_ =	strace s5  }
0x95: {  	s5 =	sld [smem:$0x3FFC];
	_ =	sdelay $0x3  }
0x96: {  	_ =	strace s5  }
0x97: {  	s5 =	sld [smem:$0x3FFD];
	_ =	sdelay $0x3  }
0x98: {  	_ =	strace s5  }
0x99: {  	_ =	strace $0x8FFFFFFF  }
0x9a: {  	s19 =	sld [smem:$0x3FDB];
	_ =	sdelay $0x1  }
0x9b: {  	s6 =	simm.s32 $_scs_section_size  }
0x9c: {  	s7 =	simm.s32 $_size__tile_overlayer_lowered;
	s8 =	simm.s32 $_tile_overlayer_lowered  }
0x9d: {  	s22 =	simm.s32 $0x1BFF;
	s21 =	sshll.u32 s8, $0x1;
	s5 =	sadd.s32 s6, s19  }
0x9e: {  	s9 =	simm.s32 $0x0;
	s20 =	sshll.u32 s7, $0x1;
	s7 =	sadd.s32 s21, s5  }
0x9f: {  	[timem:s9], [sflag:s22] =	dma.local [hbm:s7], s20  }
0xa0: {  	_ =	swait.ge [sflag:s22], s20  }
0xa1: {  	s6 =	ssub.s32 $0x0, s20;
	[sflag:s22] =	ssyncset.done $0x0  }
0xa2: {  	[sflag:s22] =	ssyncadd.s32 s6;
	_ =	sdelay $0x1  }
0xa3: {  	s23 =	simm.s32 $0x1B8B  }
0xa4: {  	_ =	swait.ge [sflag:s23], $0x1  }
0xa5: {  	[sflag:s23] =	ssyncset.done $0x0  }
0xa6: {  	s25 =	simm.s32 $0x1B8E;
	s24 =	sld [smem:$0x3FFE];
	[sflag:s23] =	ssyncadd.s32 $0xFFFFFFFF  }
0xa7: {  	s26 =	simm.s32 $execute0_lowered;
	[smem:$0x3FD2] =	sst s25  }
0xa8: {  	s7 =	sshll.u32 s26, $0x1;
	_ =	strace $0x80000046;
	[dreg:$0x1] =	wrdreg $0xFFFFFFFF  }
0xa9: {  	s28 =	simm.s32 $_size_execute0_lowered;
	s5 =	sadd.s32 s5, s7;
	[dreg:$0x0] =	wrdreg $0x0  }
0xaa: {  	s7 =	sshll.u32 s28, $0x1;
	[dreg:$0x2] =	wrdreg s5  }
0xab: {  	[dreg:$0x3] =	wrdreg s7  }
0xac: {  	[dreg:$0x4] =	wrdreg $0xC0  }
0xad: {  	_ =	task [dreg:s9], $0x5FFFF  }
0xae: {  	[dreg:$0x1] =	wrdreg $0xFFFFFFFF  }
0xaf: {  	[dreg:$0x0] =	wrdreg $0x60  }
0xb0: {  	[dreg:$0x2] =	wrdreg s2  }
0xb1: {  	[dreg:$0x3] =	wrdreg s18  }
0xb2: {  	[dreg:$0x4] =	wrdreg s24  }
0xb3: {  	[dreg:$0x5] =	wrdreg s4  }
0xb4: {  	[dreg:$0x6] =	wrdreg $0x9  }
0xb5: {  	_ =	task.clear_ibuf [dreg:s9], $0x7FFFF;
	_ =	strace $0x90000046  }
0xb6: {  	s29 =	simm.s32 $0x9;
	_ =	strace $0x80000048  }
0xb7: {  	_ =	swait.ge [sflag:s29], $0x1  }
0xb8: {  	[sflag:s29] =	ssyncadd.s32 $0xFFFFFFFF  }
0xb9: {  	_ =	strace $0x90000048  }
0xba: {  	_ =	sfence  }
0xbb: {  	s30 =	sld [smem:$0x0];
	_ =	sdelay $0x2  }
0xbc: {  	s31 =	sshll.u32 s1, $0xD;
	s1 =	sshrl.u32 s1, $0x2  }
0xbd: {  	s3 =	sand.u32 $0x4000, s31;
	s1 =	sadd.s32 s1, s30  }
0xbe: {  	s0 =	sor.u32 s3, s0;
	s1 =	sshll.u32 s1, $0x11  }
0xbf: {  	s0 =	sor.u32 s1, s0  }
0xc0: {  	s0 =	sadd.s32 $0x8F2B, s0  }
0xc1: {  	[sflag:s0] =	ssyncadd.remote.s32 $0x1  }
0xc2: {  	_ =	sfence.sel $0xFFFF  }
0xc3: {  	[dreg:$0x0] =	wrdreg $0xFFFFFFFF;
	(pc) =	sbr.abs _section_cstart, $3  }
0xc4: {  	[dreg:$0x1] =	wrdreg $0xFFFFFFFF  }
0xc5: {  	_ =	task.clear_ibuf [dreg:s9], $0x2FFFF;
	_ =	strace $0x9FFFFFFF  }
0xc6: {  	(tm) =	ssettm $0x7FFFFFFF  }
0xc7: {  	_ =	shalt  }
tec
execute0_lowered:
.L_overlay_start_1:
0x0: {  	(tag) =	ssettag $0x1  }
0x1: {  	s1 =	rddreg [dreg:$0x0]  }
0x2: {  	s2 =	rddreg [dreg:$0x1]  }
0x3: {  	s5 =	rddreg [dreg:$0x2]  }
0x4: {  	s9 =	rddreg [dreg:$0x3]  }
0x5: {  	s0 =	rddreg [dreg:$0x4];
	s6 =	srdreg.scid;
	s4 =	simm.s32 $0x0  }
0x6: {  	s3 =	stileid.u32;
	s12 =	simm.s32 $0x3;
	s13 =	simm.s32 $0x10000  }
0x7: {  	s14 =	simm.s32 $0x4000;
	s15 =	simm.s32 $0x1;
	s16 =	simm.s32 $0x8000  }
0x8: {  	s17 =	simm.s32 $0x2;
	s18 =	simm.s32 $0x10080;
	s19 =	simm.s32 $0x0  }
0x9: {  	s6 =	sand.u32 $0x1, s6;
	[smem:$0x7FF] =	sst s4;
	s8 =	sshll.u32 s3, $0x1  }
.Ltmp0:
0xa: {  	s5 =	sadd.s32 $0x400, s5;
	s7 =	ssub.s32 $0x2, s6;
	(pc) =	sbr.rel .LBB2_1-.Ltmp0, $4  }
0xb: {  	_ =	strace $0x80000047;
	s8 =	sor.u32 s6, s8;
	s10 =	sshrl.u32 s7, $0x1  }
0xc: {  	s31 =	sshll.u32 s8, $0x10;
	s6 =	sshll.u32 s8, $0x5;
	s11 =	sshll.u32 s8, $0x2  }
0xd: {  	v0 =	vlaneseq.u32;
	s10 =	ssub.s32 s7, s10;
	s7 =	sadd.s32 s1, s31;
	s8 =	sor.u32 $0x2, s6  }
0xe: {  	v1 =	vimm.s32 $0x0;
	vm0 =	vmxor vm0, vm0;
	v2 =	vmul.u32 $0xFFFFFFFF, v0;
	s9 =	sadd.s32 s9, s11;
	s11 =	simm.s32 $0xC000;
	s10 =	smax.u32 s10, $0x1  }
.LBB2_73:
0xf: {  	s19 =	sadd.s32 $0x1, s19  }
0x10: {  	[tilespmem:$0x10080] =	vst v5;
	p0 =	sne.s32 s19, s10  }
.Ltmp1:
0x11: {  	[tilespmem:$0x10090] =	vst v4;
	(pc) =	sbr.rel @!p0 .LBB2_74-.Ltmp1, $4  }
0x12: {  	[hbm4b:s9+s4] =	stream.linear.scatter [tilespmem:s18], [sflag:$0x3], $0x20, $0x38;
	[tilespmem:$0x10100] =	vst v63  }
0x13: {  	_ =	swait.ge [sflag:s12], $0x20  }
0x14: {  	[sflag:s12] =	ssyncset.done $0x0  }
0x15: {  	[sflag:s12] =	ssyncadd.s32 $0xFFFFFFE0  }
.LBB2_1:
0x16: {  	[tilespmem:s11], [sflag:$0x3] =	stream.linear.gather [hbm4b:s2+s4], $0x4000, $0x38;
	[tilespmem:$0x10100] =	vst v63  }
0x17: {  	_ =	swait.ge [sflag:s12], $0x4000  }
0x18: {  	[sflag:s12] =	ssyncset.done $0x0  }
0x19: {  	[sflag:s12] =	ssyncadd.s32 $0xFFFFC000  }
0x1a: {  	[tilespmem:s13], [sflag:$0x3] =	stream.linear.gather [hbm4b:s5+s4], $0x80, $0x38;
	[tilespmem:$0x10100] =	vst v63  }
0x1b: {  	_ =	swait.ge [sflag:s12], $0x80  }
0x1c: {  	[sflag:s12] =	ssyncset.done $0x0  }
0x1d: {  	[sflag:s12] =	ssyncadd.s32 $0xFFFFFF80  }
0x1e: {  	v3 =	vld [tilespmem:$0x10000];
	_ =	sdelay $0x4  }
0x1f: {  	v3 =	vmul.f32 v3, v3  }
0x20: {  	s20 =	simm.s32 $0x0  }
0x21: {  	v4 =	vimm.f32 $0.0e+00;
	v5 =	vimm.f32 $0.0e+00;
	[tilespmem:s4], [sflag:$0x1] =	stream.linear.gather [hbm4b:s7+s4], $0x4000, $0x38;
	v3 =	vsub.f32 $0.0e+00, v3;
	[tilespmem:$0x10100] =	vst v63  }
.LBB2_2:
0x22: {  	s21 =	sshllo.u32 s20, $0x1  }
0x23: {  	s22 =	sadd.s32 s6, s21  }
0x24: {  	s22 =	sshll.u32 s22, $0xB  }
0x25: {  	s22 =	sand.u32 $0x1FFFF800, s22  }
0x26: {  	s23 =	simm.s32 $0x0;
	s22 =	sadd.s32 s1, s22  }
0x27: {  	[tilespmem:s14], [sflag:$0x2] =	stream.linear.gather [hbm4b:s22+s23], $0x4000, $0x38;
	[tilespmem:$0x10100] =	vst v63  }
0x28: {  	_ =	swait.ge [sflag:s15], $0x4000  }
0x29: {  	[sflag:s15] =	ssyncset.done $0x0  }
0x2a: {  	s24 =	simm.s32 $0x40;
	[sflag:s15] =	ssyncadd.s32 $0xFFFFC000  }
0x2b: {  	v6 =	vld [tilespmem:s24+$0xFFFFFFC0]  }
0x2c: {  	v8 =	vld [tilespmem:s24+$0xFFFFFFD0]  }
0x2d: {  	v9 =	vld [tilespmem:s24+$0xFFFFFFE0]  }
0x2e: {  	v10 =	vld [tilespmem:s24+$0xFFFFFFF0]  }
0x2f: {  	v11 =	vld [tilespmem:s24+$0x0]  }
0x30: {  	v12 =	vld [tilespmem:s24+$0x10]  }
0x31: {  	v13 =	vld [tilespmem:s24+$0x20]  }
0x32: {  	v7 =	vimm.s32 $0x0;
	v15 =	vld [tilespmem:s24+$0x30];
	vm7 =	vlt.f32 v6, $9.765625000e-03  }
0x33: {  	v6 =	vor.u32 s23, v0;
	vm5 =	vlt.f32 v8, $9.765625000e-03;
	v8 =	vsel vm7, $0x1, v1  }
0x34: {  	vm1 =	vlt.f32 v9, $9.765625000e-03;
	vm3 =	vlt.f32 v10, $9.765625000e-03;
	v9 =	vsel vm5, $0x1, v1;
	(xrf0) =	vadd.scan.msk.s32 $0xffff, v8  }
0x35: {  	vm2 =	vlt.f32 v11, $9.765625000e-03;
	vm4 =	vlt.f32 v12, $9.765625000e-03;
	v10 =	vsel vm1, $0x1, v1;
	(xrf0) =	vadd.scan.msk.s32 $0xffff, v9  }
0x36: {  	vm6 =	vlt.f32 v13, $9.765625000e-03;
	v14 =	vmpcnt.ones.xlane vm7;
	v9 =	vsel vm3, $0x1, v1;
	(xrf0) =	vadd.scan.msk.s32 $0xffff, v10  }
0x37: {  	vm8 =	vlt.f32 v15, $9.765625000e-03;
	v16 =	vmpcnt.ones.xlane vm5;
	v10 =	vsel vm2, $0x1, v1;
	(xrf0) =	vadd.scan.msk.s32 $0xffff, v9  }
0x38: {  	s31 =	simm.s32 $0x10;
	v11 =	vmpcnt.ones.xlane vm1;
	v12 =	vsel vm4, $0x1, v1;
	v9 =	vadd.s32 v7, v14;
	(xrf0) =	vadd.scan.msk.s32 $0xffff, v10  }
0x39: {  	v15 =	vsel vm6, $0x1, v1;
	v8 =	vor.u32 s31, v0;
	v10 =	vadd.s32 v16, v9;
	(xrf0) =	vadd.scan.msk.s32 $0xffff, v12  }
0x3a: {  	s25 =	simm.s32 $0x80;
	s22 =	sshll.u32 s20, $0x1;
	v14 =	vsel vm8, $0x1, v1;
	v12 =	vmpcnt.ones.xlane vm3;
	v11 =	vadd.s32 v11, v10;
	v13, _, _ =	vpop (xrf0);
	(xrf0) =	vadd.scan.msk.s32 $0xffff, v15  }
.LBB2_3:
0x3b: {  	p0 =	sne.s32 s25, $0x3F80  }
0x3c: {  	v15 =	vmpcnt.ones.xlane vm6;
	v16 =	vmpcnt.ones.xlane vm8;
	v7 =	vadd.s32 v13, v7;
	s24 =	sadd.s32 $0x80, s24;
	v13, _, _ =	vpop (xrf0);
	(xrf0) =	vadd.scan.msk.s32 $0xffff, v14;
	s26 =	smov.u32 s25;
	s25 =	sadd.s32 $0x80, s25  }
0x3d: {  	v14 =	vmpcnt.ones.xlane vm4;
	v7 =	vadd.s32 $0xFFFFFFFF, v7;
	v9 =	vadd.s32 v9, v13;
	v13, _, _ =	vpop (xrf0)  }
0x3e: {  	v19 =	vmpcnt.ones.xlane vm2;
	v9 =	vadd.s32 $0xFFFFFFFF, v9;
	v10 =	vadd.s32 v10, v13;
	v13, _, _ =	vpop (xrf0)  }
0x3f: {  	v12 =	vadd.s32 v12, v11;
	v10 =	vadd.s32 $0xFFFFFFFF, v10;
	v11 =	vadd.s32 v11, v13;
	v13, _, _ =	vpop (xrf0)  }
0x40: {  	s28 =	sadd.s32 $0x20, s23;
	v18 =	vadd.s32 v19, v12;
	v11 =	vadd.s32 $0xFFFFFFFF, v11;
	v12 =	vadd.s32 v12, v13;
	v13, _, _ =	vpop (xrf0)  }
0x41: {  	v14 =	vadd.s32 v14, v18;
	v12 =	vadd.s32 $0xFFFFFFFF, v12;
	v18 =	vadd.s32 v18, v13;
	v17, _, _ =	vpop (xrf0)  }
0x42: {  	s29 =	sadd.s32 $0x30, s23;
	v15 =	vadd.s32 v15, v14;
	[tilespmem:v7+s16+$0x0] =	vst.idx.msk vm7, v6;
	v6 =	vadd.s32 $0xFFFFFFFF, v18;
	v7 =	vadd.s32 v14, v17;
	v13, _, _ =	vpop (xrf0)  }
0x43: {  	s30 =	sadd.s32 $0x40, s23;
	[tilespmem:v9+s16+$0x0] =	vst.idx.msk vm5, v8;
	v8 =	vor.u32 s28, v0;
	v9 =	vadd.s32 $0xFFFFFFFF, v7;
	v13 =	vadd.s32 v15, v13  }
0x44: {  	s28 =	sadd.s32 $0x50, s23;
	v7 =	vadd.s32 v16, v15;
	[tilespmem:v10+s16+$0x0] =	vst.idx.msk vm1, v8;
	v8 =	vor.u32 s29, v0;
	v10 =	vadd.s32 $0xFFFFFFFF, v13  }
0x45: {  	s29 =	sadd.s32 $0x60, s23;
	[tilespmem:v11+s16+$0x0] =	vst.idx.msk vm3, v8;
	v8 =	vor.u32 s30, v0;
	v11 =	vor.u32 s28, v0  }
0x46: {  	s28 =	sadd.s32 $0x70, s23;
	s23 =	smov.u32 s26;
	[tilespmem:v12+s16+$0x0] =	vst.idx.msk vm2, v8;
	v8 =	vor.u32 s29, v0  }
0x47: {  	[tilespmem:v6+s16+$0x0] =	vst.idx.msk vm4, v11;
	v11 =	vor.u32 s28, v0  }
0x48: {  	v6 =	vor.u32 s23, v0;
	[tilespmem:v9+s16+$0x0] =	vst.idx.msk vm6, v8  }
0x49: {  	[tilespmem:v10+s16+$0x0] =	vst.idx.msk vm8, v11  }
0x4a: {  	v8 =	vld [tilespmem:s24+$0xFFFFFFC0]  }
0x4b: {  	v9 =	vld [tilespmem:s24+$0xFFFFFFD0]  }
0x4c: {  	v10 =	vld [tilespmem:s24+$0xFFFFFFE0]  }
0x4d: {  	v11 =	vld [tilespmem:s24+$0xFFFFFFF0]  }
0x4e: {  	v12 =	vld [tilespmem:s24+$0x0]  }
0x4f: {  	v13 =	vld [tilespmem:s24+$0x10];
	vm7 =	vlt.f32 v8, $9.765625000e-03  }
0x50: {  	s26 =	sadd.s32 $0x10, s23;
	v14 =	vld [tilespmem:s24+$0x20];
	vm5 =	vlt.f32 v9, $9.765625000e-03;
	v8 =	vsel vm7, $0x1, v1;
	v9 =	vmpcnt.ones.xlane vm7  }
0x51: {  	v15 =	vld [tilespmem:s24+$0x30];
	vm1 =	vlt.f32 v10, $9.765625000e-03;
	v10 =	vsel vm5, $0x1, v1;
	v16 =	vmpcnt.ones.xlane vm5;
	(xrf0) =	vadd.scan.msk.s32 $0xffff, v8  }
0x52: {  	v8 =	vor.u32 s26, v0;
	vm3 =	vlt.f32 v11, $9.765625000e-03;
	v11 =	vsel vm1, $0x1, v1;
	(xrf0) =	vadd.scan.msk.s32 $0xffff, v10  }
.Ltmp2:
0x53: {  	v17 =	vmpcnt.ones.xlane vm1;
	vm2 =	vlt.f32 v12, $9.765625000e-03;
	v10 =	vsel vm3, $0x1, v1;
	(xrf0) =	vadd.scan.msk.s32 $0xffff, v11;
	(pc) =	sbr.rel @p0 .LBB2_3-.Ltmp2, $4  }
0x54: {  	v9 =	vadd.s32 v7, v9;
	vm4 =	vlt.f32 v13, $9.765625000e-03;
	v11 =	vsel vm2, $0x1, v1;
	(xrf0) =	vadd.scan.msk.s32 $0xffff, v10  }
0x55: {  	v10 =	vadd.s32 v16, v9;
	vm6 =	vlt.f32 v14, $9.765625000e-03;
	v18 =	vsel vm4, $0x1, v1;
	(xrf0) =	vadd.scan.msk.s32 $0xffff, v11  }
0x56: {  	v12 =	vmpcnt.ones.xlane vm3;
	vm8 =	vlt.f32 v15, $9.765625000e-03;
	v15 =	vsel vm6, $0x1, v1;
	(xrf0) =	vadd.scan.msk.s32 $0xffff, v18  }
0x57: {  	v11 =	vadd.s32 v17, v10;
	v14 =	vsel vm8, $0x1, v1;
	v13, _, _ =	vpop (xrf0);
	(xrf0) =	vadd.scan.msk.s32 $0xffff, v15  }
0x58: {  	v15 =	vmpcnt.ones.xlane vm2  }
0x59: {  	v16 =	vmpcnt.ones.xlane vm4;
	v12 =	vadd.s32 v12, v11  }
0x5a: {  	v17 =	vmpcnt.ones.xlane vm6;
	v15 =	vadd.s32 v15, v12  }
0x5b: {  	v18 =	vmpcnt.ones.xlane vm8;
	v16 =	vadd.s32 v16, v15  }
0x5c: {  	v17 =	vadd.s32 v17, v16  }
0x5d: {  	v18 =	vadd.s32 v18, v17  }
0x5e: {  	v19, _, _ =	vpop (xrf0);
	(xrf0) =	vadd.scan.msk.s32 $0xffff, v14;
	v53 =	vxor.u32 $0x80000000, v18  }
0x5f: {  	v54, _, _ =	vpop (xrf0);
	(xrf0) =	vmax.scan.msk.u32 $0xffff, v53  }
0x60: {  	v55, _, _ =	vpop (xrf0)  }
0x61: {  	v20, _, _ =	vpop (xrf0)  }
0x62: {  	v21, _, _ =	vpop (xrf0)  }
0x63: {  	v22, _, _ =	vpop (xrf0)  }
0x64: {  	v23, _, _ =	vpop (xrf0)  }
0x65: {  	v24, _, _ =	vpop (xrf0)  }
0x66: {  	(v2sf) =	vpush v24, $0xF;
	_ =	sdelay $0x8  }
0x67: {  	v7 =	vadd.s32 v13, v7  }
0x68: {  	v9 =	vadd.s32 v9, v19;
	v7 =	vadd.s32 $0xFFFFFFFF, v7  }
0x69: {  	v10 =	vadd.s32 v10, v54;
	v9 =	vadd.s32 $0xFFFFFFFF, v9  }
0x6a: {  	v56 =	vadd.s32 v11, v55;
	v10 =	vadd.s32 $0xFFFFFFFF, v10  }
0x6b: {  	v12 =	vadd.s32 v12, v20;
	v11 =	vadd.s32 $0xFFFFFFFF, v56  }
0x6c: {  	v57 =	vadd.s32 v15, v21;
	v12 =	vadd.s32 $0xFFFFFFFF, v12  }
0x6d: {  	s24 =	sadd.s32 $0x20, s23;
	[tilespmem:v7+s16+$0x0] =	vst.idx.msk vm7, v6;
	v6 =	vadd.s32 $0xFFFFFFFF, v57;
	v7 =	vadd.s32 v16, v22;
	s30 =	spop (v2sf)  }
0x6e: {  	s25 =	sadd.s32 $0x30, s23;
	v58 =	vor.u32 s24, v0;
	[tilespmem:v9+s16+$0x0] =	vst.idx.msk vm5, v8;
	v7 =	vadd.s32 $0xFFFFFFFF, v7;
	v59 =	vadd.s32 v17, v23;
	s24 =	sxor.u32 $0x80000000, s30  }
0x6f: {  	s26 =	sadd.s32 $0x40, s23;
	v60 =	vor.u32 s25, v0;
	[tilespmem:v10+s16+$0x0] =	vst.idx.msk vm1, v58;
	v9 =	vadd.s32 $0xFFFFFFFF, v59;
	p0 =	sgt.s32 s24, $0x3F  }
.Ltmp3:
0x70: {  	s28 =	sadd.s32 $0x50, s23;
	v61 =	vor.u32 s26, v0;
	[tilespmem:v11+s16+$0x0] =	vst.idx.msk vm3, v60;
	(pc) =	sbr.rel @p0 .LBB2_8-.Ltmp3, $4  }
0x71: {  	s29 =	sadd.s32 $0x60, s23;
	v62 =	vor.u32 s28, v0;
	[tilespmem:v12+s16+$0x0] =	vst.idx.msk vm2, v61  }
0x72: {  	s31 =	sadd.s32 $0x70, s23;
	v63 =	vor.u32 s29, v0;
	[tilespmem:v6+s16+$0x0] =	vst.idx.msk vm4, v62  }
0x73: {  	v6 =	vor.u32 s31, v0;
	[tilespmem:v7+s16+$0x0] =	vst.idx.msk vm6, v63  }
0x74: {  	[tilespmem:v9+s16+$0x0] =	vst.idx.msk vm8, v6  }
0x75: {  	v6 =	vimm.s32 $0x0;
	s23 =	simm.s32 $0x0;
	s24 =	simm.s32 $0x40  }
.LBB2_6:
0x76: {  	v7 =	vld [tilespmem:s24+$0xFFFFFFC0]  }
0x77: {  	v8 =	vld [tilespmem:s24+$0xFFFFFFD0]  }
0x78: {  	v10 =	vld [tilespmem:s24+$0xFFFFFFF0]  }
0x79: {  	v12 =	vld [tilespmem:s24+$0x10]  }
0x7a: {  	v9 =	vld [tilespmem:s24+$0xFFFFFFE0];
	_ =	sdelay $0x1  }
0x7b: {  	v11 =	vld [tilespmem:s24+$0x0];
	v16 =	vor.u32 s23, v0;
	vm1 =	vlt.f32 v7, $+Inf;
	vm2 =	vgt.f32 v7, $+Inf  }
0x7c: {  	vm3 =	vlt.f32 v8, $+Inf;
	vm4 =	vgt.f32 v8, $+Inf;
	v7 =	vld [tilespmem:s24+$0x20];
	vm6 =	vgt.f32 v10, $+Inf  }
0x7d: {  	vm12 =	vlt.f32 v12, $+Inf;
	vm7 =	vmor vm2, vm1;
	vm4 =	vmor vm4, vm3  }
0x7e: {  	vm1 =	vlt.f32 v9, $+Inf;
	vm2 =	vgt.f32 v9, $+Inf;
	vm3 =	vlt.f32 v10, $+Inf  }
0x7f: {  	v8 =	vld [tilespmem:s24+$0x30];
	vm8 =	vgt.f32 v12, $+Inf;
	vm5 =	vmor vm2, vm1;
	vm2 =	vmor vm6, vm3  }
0x80: {  	vm1 =	vlt.f32 v11, $+Inf;
	vm3 =	vgt.f32 v11, $+Inf;
	v49 =	vsel vm7, $0x1, v1  }
0x81: {  	(xrf0) =	vadd.scan.msk.s32 $0xffff, v49;
	vm13 =	vlt.f32 v7, $+Inf;
	vm14 =	vgt.f32 v7, $+Inf;
	v7 =	vsel vm4, $0x1, v1  }
0x82: {  	v50 =	vmpcnt.ones.xlane vm7;
	v52 =	vmpcnt.ones.xlane vm4;
	(xrf0) =	vadd.scan.msk.s32 $0xffff, v7;
	v7 =	vsel vm5, $0x1, v1  }
0x83: {  	vm3 =	vmor vm3, vm1;
	vm1 =	vmor vm8, vm12;
	(xrf0) =	vadd.scan.msk.s32 $0xffff, v7;
	v7 =	vsel vm2, $0x1, v1  }
0x84: {  	v53 =	vmpcnt.ones.xlane vm2;
	vm9 =	vlt.f32 v8, $+Inf;
	(xrf0) =	vadd.scan.msk.s32 $0xffff, v7;
	v7 =	vsel vm3, $0x1, v1  }
0x85: {  	vm10 =	vgt.f32 v8, $+Inf;
	v8 =	vsel vm1, $0x1, v1;
	vm8 =	vmor vm14, vm13;
	(xrf0) =	vadd.scan.msk.s32 $0xffff, v7  }
0x86: {  	v9 =	vadd.s32 v6, v50;
	vm15 =	vmor vm10, vm9;
	v7 =	vsel vm8, $0x1, v1;
	(xrf0) =	vadd.scan.msk.s32 $0xffff, v8  }
0x87: {  	v14 =	vmpcnt.ones.xlane vm1;
	v11 =	vadd.s32 v52, v9;
	v51 =	vsel vm15, $0x1, v1;
	v13, _, _ =	vpop (xrf0);
	(xrf0) =	vadd.scan.msk.s32 $0xffff, v7  }
0x88: {  	v54 =	vmpcnt.ones.xlane vm8;
	v8 =	vmpcnt.ones.xlane vm5;
	v6 =	vadd.s32 v13, v6;
	v15, _, _ =	vpop (xrf0)  }
0x89: {  	v7 =	vmpcnt.ones.xlane vm3;
	v6 =	vadd.s32 $0xFFFFFFFF, v6;
	v55, _, _ =	vpop (xrf0);
	v9 =	vadd.s32 v9, v15  }
0x8a: {  	(xrf0) =	vadd.scan.msk.s32 $0xffff, v51;
	v8 =	vadd.s32 v8, v11;
	v56, _, _ =	vpop (xrf0);
	v9 =	vadd.s32 $0xFFFFFFFF, v9;
	v11 =	vadd.s32 v11, v55  }
0x8b: {  	v12 =	vadd.s32 v53, v8;
	v57, _, _ =	vpop (xrf0);
	v11 =	vadd.s32 $0xFFFFFFFF, v11;
	v8 =	vadd.s32 v8, v56  }
0x8c: {  	v7 =	vadd.s32 v7, v12;
	v58, _, _ =	vpop (xrf0);
	v8 =	vadd.s32 $0xFFFFFFFF, v8;
	v12 =	vadd.s32 v12, v57  }
0x8d: {  	s25 =	sadd.s32 $0x10, s23;
	v14 =	vadd.s32 v14, v7;
	v59, _, _ =	vpop (xrf0);
	v12 =	vadd.s32 $0xFFFFFFFF, v12;
	v7 =	vadd.s32 v7, v58  }
0x8e: {  	s26 =	sadd.s32 $0x20, s23;
	[tilespmem:v6+s16+$0x0] =	vst.idx.msk vm7, v16;
	v6 =	vor.u32 s25, v0;
	v7 =	vadd.s32 $0xFFFFFFFF, v7;
	v13 =	vadd.s32 v14, v59  }
0x8f: {  	s31 =	sadd.s32 $0x30, s23;
	[tilespmem:v9+s16+$0x0] =	vst.idx.msk vm4, v6;
	v6 =	vor.u32 s26, v0;
	v61 =	vadd.s32 $0xFFFFFFFF, v13  }
0x90: {  	s28 =	sadd.s32 $0x40, s23;
	v10 =	vadd.s32 v54, v14;
	v60, _, _ =	vpop (xrf0);
	[tilespmem:v11+s16+$0x0] =	vst.idx.msk vm5, v6;
	v6 =	vor.u32 s31, v0  }
0x91: {  	s29 =	sadd.s32 $0x50, s23;
	v62 =	vadd.s32 v10, v60;
	[tilespmem:v8+s16+$0x0] =	vst.idx.msk vm2, v6;
	v6 =	vor.u32 s28, v0  }
0x92: {  	s30 =	sadd.s32 $0x60, s23;
	p0 =	sne.s32 s23, $0x3F80;
	v63 =	vadd.s32 $0xFFFFFFFF, v62;
	[tilespmem:v12+s16+$0x0] =	vst.idx.msk vm3, v6;
	v6 =	vor.u32 s29, v0  }
.Ltmp4:
0x93: {  	s31 =	sadd.s32 $0x70, s23;
	[tilespmem:v7+s16+$0x0] =	vst.idx.msk vm1, v6;
	v6 =	vor.u32 s30, v0;
	(pc) =	sbr.rel @p0 .LBB2_6-.Ltmp4, $3  }
0x94: {  	v8 =	vmpcnt.ones.xlane vm15;
	[tilespmem:v61+s16+$0x0] =	vst.idx.msk vm8, v6;
	v6 =	vor.u32 s31, v0;
	_ =	sdelay $0x1  }
0x95: {  	v7 =	vadd.s32 v8, v10  }
0x96: {  	s24 =	sadd.s32 $0x80, s24;
	s23 =	sadd.s32 $0x80, s23;
	[tilespmem:v63+s16+$0x0] =	vst.idx.msk vm15, v6;
	v6 =	vmov v7  }
0x97: {  	s24 =	simm.s32 $0x4000  }
.LBB2_8:
0x98: {  	s23 =	sadd.s32 $0xF, s24  }
0x99: {  	s23 =	sshra.s32 s23, $0x4  }
0x9a: {  	v7 =	vadd.s32 s24, v2;
	s25 =	simm.s32 $0x0;
	v6 =	vimm.s32 $0x0;
	v8 =	vimm.s32 $0x7F7FFFFF;
	p0 =	slt.s32 s23, $0x1  }
.LBB2_9:
0x9b: {  	s25 =	sadd.s32 $0x1, s25  }
.LBB2_10:
.Ltmp5:
0x9c: {  	(pc) =	sbr.rel @!p0 .LBB2_11-.Ltmp5, $4  }
0x9d: {  	_ = 	snop  }
0x9e: {  	v9 =	vsub.s32 v8, v6  }
0x9f: {  	v9 =	vshra.s32 v9, $0x1  }
0xa0: {  	v9 =	vadd.s32 v6, v9  }
0xa1: {  	s25 =	sadd.s32 $0x1, s25  }
0xa2: {  	p1 =	seq.s32 s25, $0x20  }
.Ltmp6:
0xa3: {  	_ = 	snop;
	(pc) =	sbr.rel @!p1 .LBB2_10-.Ltmp6, $4  }
.Ltmp7:
0xa4: {  	_ = 	snop;
	(pc) =	sbr.rel @p1 .LBB2_20-.Ltmp7, $4  }
0xa5: {  	_ = 	snop  }
0xa6: {  	_ = 	snop  }
0xa7: {  	v6 =	vadd.s32 $0x1, v9  }
0xa8: {  	_ = 	snop  }
.LBB2_11:
0xa9: {  	p1 =	sne.s32 s23, $0x1  }
.Ltmp8:
0xaa: {  	_ = 	snop;
	(pc) =	sbr.rel @!p1 .LBB2_12-.Ltmp8, $3  }
0xab: {  	_ =	sdelay $0x1  }
0xac: {  	s24 =	simm.s32 $0x8000  }
0xad: {  	v10 =	vimm.s32 $0x0;
	s26 =	simm.s32 $0x0;
	p2 =	por $0x0, $0x0;
	v11 =	vld [tilespmem:s24+$0x0];
	s24 =	sadd.s32 $0xFFFFFFFF, s23  }
0xae: {  	_ = 	snop  }
0xaf: {  	v12 =	vmov s26  }
0xb0: {  	vm1 =	vlt.s32 v12, v7;
	_ =	sdelay $0x1  }
0xb1: {  	p3 =	sne.s32 s24, $0x1  }
.Ltmp9:
0xb2: {  	_ = 	snop;
	(pc) =	sbr.rel @!p3 .LBB2_14-.Ltmp9, $3  }
0xb3: {  	_ =	sdelay $0x1  }
0xb4: {  	s28 =	simm.s32 $0x8010;
	v13 =	vld.idx.msk [tilespmem:v11+s4+$0x0], vm1  }
0xb5: {  	s29 =	sadd.s32 $0xFFFFFFFF, s24;
	s26 =	simm.s32 $0x10;
	p2 =	por $0x1, $0x1;
	v12 =	vimm.s32 $0x0;
	vm1 =	vmmov vm1;
	v11 =	vld [tilespmem:s28+$0x0]  }
.LBB2_15:
0xb6: {  	p3 =	sne.s32 s29, $0x1;
	v14 =	vmov s26  }
0xb7: {  	vm2 =	vlt.s32 v14, v7;
	_ =	sdelay $0x2  }
.Ltmp10:
0xb8: {  	vm3 =	vge.s32 v9, v13;
	(pc) =	sbr.rel @p3 .LBB2_15-.Ltmp10, $4  }
0xb9: {  	vm3 =	vmand vm1, vm3;
	vm1 =	vmmov vm2  }
0xba: {  	v14 =	vmpcnt.ones.xlane vm3  }
0xbb: {  	s28 =	sadd.s32 $0x10, s28;
	v13 =	vld.idx.msk [tilespmem:v11+s4+$0x0], vm2  }
0xbc: {  	s29 =	sadd.s32 $0xFFFFFFFF, s29;
	s26 =	sadd.s32 $0x10, s26;
	v12 =	vadd.s32 v12, v14;
	v11 =	vld [tilespmem:s28+$0x0]  }
.LBB2_16:
0xbd: {  	_ = 	snop  }
0xbe: {  	v14 =	vmov s26  }
0xbf: {  	vm2 =	vlt.s32 v14, v7;
	_ =	sdelay $0x5  }
0xc0: {  	v11 =	vld.idx.msk [tilespmem:v11+s4+$0x0], vm2  }
0xc1: {  	vm3 =	vge.s32 @p2 v9, v13  }
0xc2: {  	vm1 =	vmand @p2 vm1, vm3  }
0xc3: {  	v13 =	vmpcnt.ones.xlane @p2 vm1;
	_ =	sdelay $0x1  }
0xc4: {  	vm2 =	vmmov vm2;
	vm1 =	vge.s32 v9, v11;
	v11 =	vadd.s32 @p2 v12, v13  }
0xc5: {  	vm1 =	vmand vm2, vm1;
	v10 =	vpsel p2, v11, v10;
	p2 =	seq.s32 s25, $0x1F  }
.Ltmp11:
0xc6: {  	v63 =	vmpcnt.ones.xlane vm1;
	(pc) =	sbr.rel @!p2 .LBB2_9-.Ltmp11, $4  }
.Ltmp12:
0xc7: {  	_ = 	snop;
	(pc) =	sbr.rel @p2 .LBB2_17-.Ltmp12, $4  }
0xc8: {  	v10 =	vadd.s32 v10, v63  }
0xc9: {  	vm1 =	vgt.s32 v10, $0x3F;
	v10 =	vadd.s32 $0x1, v9  }
0xca: {  	v6 =	vsel vm1, v6, v10;
	v8 =	vsel vm1, v9, v8  }
0xcb: {  	_ = 	snop  }
.LBB2_12:
.Ltmp13:
0xcc: {  	(pc) =	sbr.rel .LBB2_16-.Ltmp13, $2  }
0xcd: {  	_ =	sdelay $0x2  }
0xce: {  	v12 =	vimm.s32 $0x0  }
.LBB2_14:
.Ltmp14:
0xcf: {  	(pc) =	sbr.rel .LBB2_16-.Ltmp14, $2  }
0xd0: {  	_ =	sdelay $0x2  }
0xd1: {  	v12 =	vimm.s32 $0x0  }
.LBB2_20:
0xd2: {  	v7 =	vimm.f32 $0.0e+00;
	v6 =	vimm.f32 $0.0e+00  }
.LBB2_37:
0xd3: {  	(xrf2) =	vadd.scan.msk.f32 $0xffff, v7  }
0xd4: {  	(xrf2) =	vadd.scan.msk.f32 $0xffff, v6;
	_ =	sdelay $0x8  }
0xd5: {  	v6, _, _ =	vpop (xrf2)  }
0xd6: {  	v7, _, _ =	vpop (xrf2)  }
0xd7: {  	v7 =	vbroadcast v7, $0xF;
	_ =	sdelay $0x1  }
0xd8: {  	(erf) = vrcp.f32 v7;
	_ =	sdelay $0x3  }
0xd9: {  	p0 =	seq.s32 s20, $0xF  }
0xda: {  	s23 =	sadd.s32 @!p0 s22, s8  }
0xdb: {  	s23 =	sshll.u32 @!p0 s23, $0xB  }
0xdc: {  	s23 =	sand.u32 @!p0 $0x1FFFF000, s23  }
0xdd: {  	s24 =	simm.s32 @!p0 $0x0;
	s23 =	sadd.s32 @!p0 s1, s23  }
0xde: {  	[tilespmem:s24], [sflag:$0x1] =	stream.linear.gather @!p0 [hbm4b:s23+s24], $0x4000, $0x38;
	v7 =	vpop (erf);
	[tilespmem:$0x10100] =	vst v63  }
0xdf: {  	_ =	swait.ge [sflag:s17], $0x4000  }
0xe0: {  	[sflag:s17] =	ssyncset.done $0x0  }
0xe1: {  	s24 =	simm.s32 $0x4040;
	[sflag:s17] =	ssyncadd.s32 $0xFFFFC000  }
0xe2: {  	v8 =	vld [tilespmem:s24+$0xFFFFFFC0]  }
0xe3: {  	v6 =	vbroadcast v6, $0xF;
	v9 =	vld [tilespmem:s24+$0xFFFFFFD0]  }
0xe4: {  	vm1 =	vmmov vm0;
	v10 =	vld [tilespmem:s24+$0xFFFFFFE0]  }
0xe5: {  	s31 =	sadd.s32 $0xFFFFFFF0, s22;
	vm2 =	vmmov vm0;
	p0 =	slt.u32 s20, $0x8;
	v6 =	vmul.f32 v7, v6;
	v7 =	vmov s22;
	v11 =	vld [tilespmem:s24+$0xFFFFFFF0]  }
0xe6: {  	vm1 =	vmneg @p0 vm1;
	p0 =	sgt.u32 s20, $0x7;
	vm3 =	veq.s32 v7, v0;
	v7 =	vmov s31;
	v12 =	vld [tilespmem:s24+$0x0]  }
0xe7: {  	vm2 =	vmneg @p0 vm2;
	vm4 =	veq.s32 v7, v0;
	v13 =	vld [tilespmem:s24+$0x10]  }
0xe8: {  	vm3 =	vmand vm1, vm3;
	v7 =	vimm.s32 $0x0;
	vm4 =	vmand vm2, vm4;
	v14 =	vld [tilespmem:s24+$0x20]  }
0xe9: {  	s23 =	simm.s32 $0x0;
	v5 =	vsel vm3, v6, v5;
	v4 =	vsel vm4, v6, v4;
	vm9 =	vlt.f32 v8, $9.765625000e-03  }
0xea: {  	v15 =	vld [tilespmem:s24+$0x30];
	v6 =	vor.u32 s23, v0;
	vm7 =	vlt.f32 v9, $9.765625000e-03;
	v8 =	vsel vm9, $0x1, v1  }
0xeb: {  	vm3 =	vlt.f32 v10, $9.765625000e-03;
	vm5 =	vlt.f32 v11, $9.765625000e-03;
	v10 =	vsel vm7, $0x1, v1;
	(xrf0) =	vadd.scan.msk.s32 $0xffff, v8  }
0xec: {  	vm4 =	vlt.f32 v12, $9.765625000e-03;
	vm6 =	vlt.f32 v13, $9.765625000e-03;
	v11 =	vsel vm3, $0x1, v1;
	(xrf0) =	vadd.scan.msk.s32 $0xffff, v10  }
0xed: {  	vm8 =	vlt.f32 v14, $9.765625000e-03;
	v9 =	vmpcnt.ones.xlane vm9;
	v10 =	vsel vm5, $0x1, v1;
	(xrf0) =	vadd.scan.msk.s32 $0xffff, v11  }
0xee: {  	v16 =	vmpcnt.ones.xlane vm7;
	v12 =	vsel vm4, $0x1, v1;
	v13 =	vsel vm6, $0x1, v1;
	(xrf0) =	vadd.scan.msk.s32 $0xffff, v10  }
0xef: {  	vm10 =	vlt.f32 v15, $9.765625000e-03;
	v9 =	vadd.s32 v7, v9;
	v11 =	vmpcnt.ones.xlane vm3;
	(xrf0) =	vadd.scan.msk.s32 $0xffff, v12  }
0xf0: {  	s25 =	simm.s32 $0x10;
	v15 =	vsel vm8, $0x1, v1;
	v14 =	vsel vm10, $0x1, v1;
	v10 =	vadd.s32 v16, v9;
	(xrf0) =	vadd.scan.msk.s32 $0xffff, v13  }
0xf1: {  	v8 =	vor.u32 s25, v0;
	s25 =	simm.s32 $0x80;
	v12 =	vmpcnt.ones.xlane vm5;
	v11 =	vadd.s32 v11, v10;
	v13, _, _ =	vpop (xrf0);
	(xrf0) =	vadd.scan.msk.s32 $0xffff, v15  }
.LBB2_38:
0xf2: {  	p0 =	sne.s32 s25, $0x3F80  }
0xf3: {  	v15 =	vmpcnt.ones.xlane vm8;
	v16 =	vmpcnt.ones.xlane vm10;
	v7 =	vadd.s32 v13, v7;
	s24 =	sadd.s32 $0x80, s24;
	v13, _, _ =	vpop (xrf0);
	(xrf0) =	vadd.scan.msk.s32 $0xffff, v14;
	s26 =	smov.u32 s25;
	s25 =	sadd.s32 $0x80, s25  }
0xf4: {  	v14 =	vmpcnt.ones.xlane vm6;
	v7 =	vadd.s32 $0xFFFFFFFF, v7;
	v9 =	vadd.s32 v9, v13;
	v13, _, _ =	vpop (xrf0)  }
0xf5: {  	v19 =	vmpcnt.ones.xlane vm4;
	v9 =	vadd.s32 $0xFFFFFFFF, v9;
	v10 =	vadd.s32 v10, v13;
	v13, _, _ =	vpop (xrf0)  }
0xf6: {  	v12 =	vadd.s32 v12, v11;
	v10 =	vadd.s32 $0xFFFFFFFF, v10;
	v11 =	vadd.s32 v11, v13;
	v13, _, _ =	vpop (xrf0)  }
0xf7: {  	s28 =	sadd.s32 $0x20, s23;
	v18 =	vadd.s32 v19, v12;
	v11 =	vadd.s32 $0xFFFFFFFF, v11;
	v12 =	vadd.s32 v12, v13;
	v13, _, _ =	vpop (xrf0)  }
0xf8: {  	v14 =	vadd.s32 v14, v18;
	v12 =	vadd.s32 $0xFFFFFFFF, v12;
	v18 =	vadd.s32 v18, v13;
	v17, _, _ =	vpop (xrf0)  }
0xf9: {  	s29 =	sadd.s32 $0x30, s23;
	v15 =	vadd.s32 v15, v14;
	[tilespmem:v7+s16+$0x0] =	vst.idx.msk vm9, v6;
	v6 =	vadd.s32 $0xFFFFFFFF, v18;
	v7 =	vadd.s32 v14, v17;
	v13, _, _ =	vpop (xrf0)  }
0xfa: {  	s30 =	sadd.s32 $0x40, s23;
	[tilespmem:v9+s16+$0x0] =	vst.idx.msk vm7, v8;
	v8 =	vor.u32 s28, v0;
	v9 =	vadd.s32 $0xFFFFFFFF, v7;
	v13 =	vadd.s32 v15, v13  }
0xfb: {  	s28 =	sadd.s32 $0x50, s23;
	v7 =	vadd.s32 v16, v15;
	[tilespmem:v10+s16+$0x0] =	vst.idx.msk vm3, v8;
	v8 =	vor.u32 s29, v0;
	v10 =	vadd.s32 $0xFFFFFFFF, v13  }
0xfc: {  	s29 =	sadd.s32 $0x60, s23;
	[tilespmem:v11+s16+$0x0] =	vst.idx.msk vm5, v8;
	v8 =	vor.u32 s30, v0;
	v11 =	vor.u32 s28, v0  }
0xfd: {  	s28 =	sadd.s32 $0x70, s23;
	s23 =	smov.u32 s26;
	[tilespmem:v12+s16+$0x0] =	vst.idx.msk vm4, v8;
	v8 =	vor.u32 s29, v0  }
0xfe: {  	[tilespmem:v6+s16+$0x0] =	vst.idx.msk vm6, v11;
	v11 =	vor.u32 s28, v0  }
0xff: {  	v6 =	vor.u32 s23, v0;
	[tilespmem:v9+s16+$0x0] =	vst.idx.msk vm8, v8  }
0x100: {  	[tilespmem:v10+s16+$0x0] =	vst.idx.msk vm10, v11  }
0x101: {  	v8 =	vld [tilespmem:s24+$0xFFFFFFC0]  }
0x102: {  	v9 =	vld [tilespmem:s24+$0xFFFFFFD0]  }
0x103: {  	v10 =	vld [tilespmem:s24+$0xFFFFFFE0]  }
0x104: {  	v11 =	vld [tilespmem:s24+$0xFFFFFFF0]  }
0x105: {  	v12 =	vld [tilespmem:s24+$0x0]  }
0x106: {  	v13 =	vld [tilespmem:s24+$0x10];
	vm9 =	vlt.f32 v8, $9.765625000e-03  }
0x107: {  	s26 =	sadd.s32 $0x10, s23;
	v14 =	vld [tilespmem:s24+$0x20];
	vm7 =	vlt.f32 v9, $9.765625000e-03;
	v8 =	vsel vm9, $0x1, v1;
	v9 =	vmpcnt.ones.xlane vm9  }
0x108: {  	v15 =	vld [tilespmem:s24+$0x30];
	vm3 =	vlt.f32 v10, $9.765625000e-03;
	v10 =	vsel vm7, $0x1, v1;
	v16 =	vmpcnt.ones.xlane vm7;
	(xrf0) =	vadd.scan.msk.s32 $0xffff, v8  }
0x109: {  	v8 =	vor.u32 s26, v0;
	vm5 =	vlt.f32 v11, $9.765625000e-03;
	v11 =	vsel vm3, $0x1, v1;
	(xrf0) =	vadd.scan.msk.s32 $0xffff, v10  }
.Ltmp15:
0x10a: {  	v17 =	vmpcnt.ones.xlane vm3;
	vm4 =	vlt.f32 v12, $9.765625000e-03;
	v10 =	vsel vm5, $0x1, v1;
	(xrf0) =	vadd.scan.msk.s32 $0xffff, v11;
	(pc) =	sbr.rel @p0 .LBB2_38-.Ltmp15, $4  }
0x10b: {  	v9 =	vadd.s32 v7, v9;
	vm6 =	vlt.f32 v13, $9.765625000e-03;
	v11 =	vsel vm4, $0x1, v1;
	(xrf0) =	vadd.scan.msk.s32 $0xffff, v10  }
0x10c: {  	v10 =	vadd.s32 v16, v9;
	vm8 =	vlt.f32 v14, $9.765625000e-03;
	v18 =	vsel vm6, $0x1, v1;
	(xrf0) =	vadd.scan.msk.s32 $0xffff, v11  }
0x10d: {  	v12 =	vmpcnt.ones.xlane vm5;
	vm10 =	vlt.f32 v15, $9.765625000e-03;
	v15 =	vsel vm8, $0x1, v1;
	(xrf0) =	vadd.scan.msk.s32 $0xffff, v18  }
0x10e: {  	v11 =	vadd.s32 v17, v10;
	v14 =	vsel vm10, $0x1, v1;
	v13, _, _ =	vpop (xrf0);
	(xrf0) =	vadd.scan.msk.s32 $0xffff, v15  }
0x10f: {  	v15 =	vmpcnt.ones.xlane vm4  }
0x110: {  	v16 =	vmpcnt.ones.xlane vm6;
	v12 =	vadd.s32 v12, v11  }
0x111: {  	v17 =	vmpcnt.ones.xlane vm8;
	v15 =	vadd.s32 v15, v12  }
0x112: {  	v18 =	vmpcnt.ones.xlane vm10;
	v16 =	vadd.s32 v16, v15  }
0x113: {  	v17 =	vadd.s32 v17, v16  }
0x114: {  	v18 =	vadd.s32 v18, v17  }
0x115: {  	v19, _, _ =	vpop (xrf0);
	(xrf0) =	vadd.scan.msk.s32 $0xffff, v14;
	v53 =	vxor.u32 $0x80000000, v18  }
0x116: {  	v54, _, _ =	vpop (xrf0);
	(xrf0) =	vmax.scan.msk.u32 $0xffff, v53  }
0x117: {  	v55, _, _ =	vpop (xrf0)  }
0x118: {  	v20, _, _ =	vpop (xrf0)  }
0x119: {  	v21, _, _ =	vpop (xrf0)  }
0x11a: {  	v22, _, _ =	vpop (xrf0)  }
0x11b: {  	v23, _, _ =	vpop (xrf0)  }
0x11c: {  	v24, _, _ =	vpop (xrf0)  }
0x11d: {  	(v2sf) =	vpush v24, $0xF;
	_ =	sdelay $0x8  }
0x11e: {  	v7 =	vadd.s32 v13, v7  }
0x11f: {  	v9 =	vadd.s32 v9, v19;
	v7 =	vadd.s32 $0xFFFFFFFF, v7  }
0x120: {  	v10 =	vadd.s32 v10, v54;
	v9 =	vadd.s32 $0xFFFFFFFF, v9  }
0x121: {  	v56 =	vadd.s32 v11, v55;
	v10 =	vadd.s32 $0xFFFFFFFF, v10  }
0x122: {  	v12 =	vadd.s32 v12, v20;
	v11 =	vadd.s32 $0xFFFFFFFF, v56  }
0x123: {  	v57 =	vadd.s32 v15, v21;
	v12 =	vadd.s32 $0xFFFFFFFF, v12  }
0x124: {  	s24 =	sadd.s32 $0x20, s23;
	[tilespmem:v7+s16+$0x0] =	vst.idx.msk vm9, v6;
	v6 =	vadd.s32 $0xFFFFFFFF, v57;
	v7 =	vadd.s32 v16, v22;
	s30 =	spop (v2sf)  }
0x125: {  	s25 =	sadd.s32 $0x30, s23;
	v58 =	vor.u32 s24, v0;
	[tilespmem:v9+s16+$0x0] =	vst.idx.msk vm7, v8;
	v7 =	vadd.s32 $0xFFFFFFFF, v7;
	v59 =	vadd.s32 v17, v23;
	s24 =	sxor.u32 $0x80000000, s30  }
0x126: {  	s26 =	sadd.s32 $0x40, s23;
	v60 =	vor.u32 s25, v0;
	[tilespmem:v10+s16+$0x0] =	vst.idx.msk vm3, v58;
	v9 =	vadd.s32 $0xFFFFFFFF, v59;
	p0 =	sgt.s32 s24, $0x3F  }
.Ltmp16:
0x127: {  	s28 =	sadd.s32 $0x50, s23;
	v61 =	vor.u32 s26, v0;
	[tilespmem:v11+s16+$0x0] =	vst.idx.msk vm5, v60;
	(pc) =	sbr.rel @p0 .LBB2_43-.Ltmp16, $4  }
0x128: {  	s29 =	sadd.s32 $0x60, s23;
	v62 =	vor.u32 s28, v0;
	[tilespmem:v12+s16+$0x0] =	vst.idx.msk vm4, v61  }
0x129: {  	s31 =	sadd.s32 $0x70, s23;
	v63 =	vor.u32 s29, v0;
	[tilespmem:v6+s16+$0x0] =	vst.idx.msk vm6, v62  }
0x12a: {  	v6 =	vor.u32 s31, v0;
	[tilespmem:v7+s16+$0x0] =	vst.idx.msk vm8, v63  }
0x12b: {  	[tilespmem:v9+s16+$0x0] =	vst.idx.msk vm10, v6  }
0x12c: {  	v6 =	vimm.s32 $0x0;
	s23 =	simm.s32 $0x0;
	s24 =	simm.s32 $0x4040  }
.LBB2_41:
0x12d: {  	v7 =	vld [tilespmem:s24+$0xFFFFFFC0]  }
0x12e: {  	v8 =	vld [tilespmem:s24+$0xFFFFFFD0]  }
0x12f: {  	v9 =	vld [tilespmem:s24+$0xFFFFFFE0]  }
0x130: {  	v10 =	vld [tilespmem:s24+$0xFFFFFFF0]  }
0x131: {  	v11 =	vld [tilespmem:s24+$0x0]  }
0x132: {  	v12 =	vld [tilespmem:s24+$0x10];
	_ =	sdelay $0x1  }
0x133: {  	vm3 =	vlt.f32 v7, $+Inf  }
0x134: {  	vm4 =	vgt.f32 v7, $+Inf;
	vm5 =	vlt.f32 v8, $+Inf;
	vm6 =	vgt.f32 v8, $+Inf  }
0x135: {  	v7 =	vld [tilespmem:s24+$0x20];
	vm15 =	vgt.f32 v9, $+Inf;
	vm12 =	vlt.f32 v10, $+Inf;
	vm8 =	vgt.f32 v10, $+Inf  }
0x136: {  	vm13 =	vgt.f32 v11, $+Inf;
	vm14 =	vlt.f32 v12, $+Inf;
	vm10 =	vgt.f32 v12, $+Inf  }
0x137: {  	vm9 =	vmor vm4, vm3;
	vm6 =	vmor vm6, vm5;
	vm3 =	vlt.f32 v9, $+Inf  }
0x138: {  	v8 =	vld [tilespmem:s24+$0x30];
	vm4 =	vmor vm8, vm12;
	vm7 =	vmor vm15, vm3;
	vm3 =	vlt.f32 v11, $+Inf  }
0x139: {  	v49 =	vsel vm9, $0x1, v1;
	vm5 =	vmor vm13, vm3;
	vm3 =	vmor vm10, vm14  }
0x13a: {  	(xrf0) =	vadd.scan.msk.s32 $0xffff, v49;
	vm8 =	vlt.f32 v7, $+Inf;
	vm10 =	vgt.f32 v7, $+Inf;
	v7 =	vsel vm6, $0x1, v1  }
0x13b: {  	v16 =	vor.u32 s23, v0;
	(xrf0) =	vadd.scan.msk.s32 $0xffff, v7;
	v7 =	vsel vm7, $0x1, v1  }
0x13c: {  	v50 =	vmpcnt.ones.xlane vm9;
	v52 =	vmpcnt.ones.xlane vm6;
	(xrf0) =	vadd.scan.msk.s32 $0xffff, v7;
	v7 =	vsel vm4, $0x1, v1  }
0x13d: {  	v53 =	vmpcnt.ones.xlane vm4;
	vm11 =	vlt.f32 v8, $+Inf;
	(xrf0) =	vadd.scan.msk.s32 $0xffff, v7;
	v7 =	vsel vm5, $0x1, v1  }
0x13e: {  	vm12 =	vgt.f32 v8, $+Inf;
	v8 =	vsel vm3, $0x1, v1;
	vm10 =	vmor vm10, vm8;
	(xrf0) =	vadd.scan.msk.s32 $0xffff, v7  }
0x13f: {  	v9 =	vadd.s32 v6, v50;
	vm15 =	vmor vm12, vm11;
	v7 =	vsel vm10, $0x1, v1;
	(xrf0) =	vadd.scan.msk.s32 $0xffff, v8  }
0x140: {  	v14 =	vmpcnt.ones.xlane vm3;
	v11 =	vadd.s32 v52, v9;
	v51 =	vsel vm15, $0x1, v1;
	v13, _, _ =	vpop (xrf0);
	(xrf0) =	vadd.scan.msk.s32 $0xffff, v7  }
0x141: {  	v54 =	vmpcnt.ones.xlane vm10;
	v8 =	vmpcnt.ones.xlane vm7;
	v6 =	vadd.s32 v13, v6;
	v15, _, _ =	vpop (xrf0)  }
0x142: {  	v7 =	vmpcnt.ones.xlane vm5;
	v6 =	vadd.s32 $0xFFFFFFFF, v6;
	v55, _, _ =	vpop (xrf0);
	v9 =	vadd.s32 v9, v15  }
0x143: {  	(xrf0) =	vadd.scan.msk.s32 $0xffff, v51;
	v8 =	vadd.s32 v8, v11;
	v56, _, _ =	vpop (xrf0);
	v9 =	vadd.s32 $0xFFFFFFFF, v9;
	v11 =	vadd.s32 v11, v55  }
0x144: {  	v12 =	vadd.s32 v53, v8;
	v57, _, _ =	vpop (xrf0);
	v11 =	vadd.s32 $0xFFFFFFFF, v11;
	v8 =	vadd.s32 v8, v56  }
0x145: {  	v7 =	vadd.s32 v7, v12;
	v58, _, _ =	vpop (xrf0);
	v8 =	vadd.s32 $0xFFFFFFFF, v8;
	v12 =	vadd.s32 v12, v57  }
0x146: {  	s25 =	sadd.s32 $0x10, s23;
	v14 =	vadd.s32 v14, v7;
	v59, _, _ =	vpop (xrf0);
	v12 =	vadd.s32 $0xFFFFFFFF, v12;
	v7 =	vadd.s32 v7, v58  }
0x147: {  	s26 =	sadd.s32 $0x20, s23;
	[tilespmem:v6+s16+$0x0] =	vst.idx.msk vm9, v16;
	v6 =	vor.u32 s25, v0;
	v7 =	vadd.s32 $0xFFFFFFFF, v7;
	v13 =	vadd.s32 v14, v59  }
0x148: {  	s31 =	sadd.s32 $0x30, s23;
	[tilespmem:v9+s16+$0x0] =	vst.idx.msk vm6, v6;
	v6 =	vor.u32 s26, v0;
	v61 =	vadd.s32 $0xFFFFFFFF, v13  }
0x149: {  	s28 =	sadd.s32 $0x40, s23;
	v10 =	vadd.s32 v54, v14;
	v60, _, _ =	vpop (xrf0);
	[tilespmem:v11+s16+$0x0] =	vst.idx.msk vm7, v6;
	v6 =	vor.u32 s31, v0  }
0x14a: {  	s29 =	sadd.s32 $0x50, s23;
	v62 =	vadd.s32 v10, v60;
	[tilespmem:v8+s16+$0x0] =	vst.idx.msk vm4, v6;
	v6 =	vor.u32 s28, v0  }
0x14b: {  	s30 =	sadd.s32 $0x60, s23;
	p0 =	sne.s32 s23, $0x3F80;
	v63 =	vadd.s32 $0xFFFFFFFF, v62;
	[tilespmem:v12+s16+$0x0] =	vst.idx.msk vm5, v6;
	v6 =	vor.u32 s29, v0  }
.Ltmp17:
0x14c: {  	s31 =	sadd.s32 $0x70, s23;
	[tilespmem:v7+s16+$0x0] =	vst.idx.msk vm3, v6;
	v6 =	vor.u32 s30, v0;
	(pc) =	sbr.rel @p0 .LBB2_41-.Ltmp17, $3  }
0x14d: {  	v8 =	vmpcnt.ones.xlane vm15;
	[tilespmem:v61+s16+$0x0] =	vst.idx.msk vm10, v6;
	v6 =	vor.u32 s31, v0;
	_ =	sdelay $0x1  }
0x14e: {  	v7 =	vadd.s32 v8, v10  }
0x14f: {  	s24 =	sadd.s32 $0x80, s24;
	s23 =	sadd.s32 $0x80, s23;
	[tilespmem:v63+s16+$0x0] =	vst.idx.msk vm15, v6;
	v6 =	vmov v7  }
0x150: {  	s24 =	simm.s32 $0x4000  }
.LBB2_43:
0x151: {  	s23 =	sadd.s32 $0xF, s24  }
0x152: {  	s23 =	sshra.s32 s23, $0x4  }
0x153: {  	v7 =	vadd.s32 s24, v2;
	s25 =	simm.s32 $0x0;
	v6 =	vimm.s32 $0x0;
	v8 =	vimm.s32 $0x7F7FFFFF;
	p0 =	slt.s32 s23, $0x1  }
.LBB2_44:
0x154: {  	s25 =	sadd.s32 $0x1, s25  }
.LBB2_45:
.Ltmp18:
0x155: {  	(pc) =	sbr.rel @!p0 .LBB2_46-.Ltmp18, $4  }
0x156: {  	_ = 	snop  }
0x157: {  	v9 =	vsub.s32 v8, v6  }
0x158: {  	v9 =	vshra.s32 v9, $0x1  }
0x159: {  	v9 =	vadd.s32 v6, v9  }
0x15a: {  	s25 =	sadd.s32 $0x1, s25  }
0x15b: {  	p1 =	seq.s32 s25, $0x20  }
.Ltmp19:
0x15c: {  	_ = 	snop;
	(pc) =	sbr.rel @!p1 .LBB2_45-.Ltmp19, $4  }
.Ltmp20:
0x15d: {  	_ = 	snop;
	(pc) =	sbr.rel @p1 .LBB2_55-.Ltmp20, $4  }
0x15e: {  	_ = 	snop  }
0x15f: {  	_ = 	snop  }
0x160: {  	v6 =	vadd.s32 $0x1, v9  }
0x161: {  	_ = 	snop  }
.LBB2_46:
0x162: {  	p1 =	sne.s32 s23, $0x1  }
.Ltmp21:
0x163: {  	_ = 	snop;
	(pc) =	sbr.rel @!p1 .LBB2_47-.Ltmp21, $3  }
0x164: {  	_ =	sdelay $0x1  }
0x165: {  	s24 =	simm.s32 $0x8000  }
0x166: {  	v10 =	vimm.s32 $0x0;
	s26 =	simm.s32 $0x0;
	p2 =	por $0x0, $0x0;
	v11 =	vld [tilespmem:s24+$0x0];
	s24 =	sadd.s32 $0xFFFFFFFF, s23  }
0x167: {  	_ = 	snop  }
0x168: {  	v12 =	vmov s26  }
0x169: {  	vm3 =	vlt.s32 v12, v7;
	_ =	sdelay $0x1  }
0x16a: {  	p3 =	sne.s32 s24, $0x1  }
.Ltmp22:
0x16b: {  	_ = 	snop;
	(pc) =	sbr.rel @!p3 .LBB2_49-.Ltmp22, $3  }
0x16c: {  	_ =	sdelay $0x1  }
0x16d: {  	s28 =	simm.s32 $0x8010;
	v13 =	vld.idx.msk [tilespmem:v11+s14+$0x0], vm3  }
0x16e: {  	s29 =	sadd.s32 $0xFFFFFFFF, s24;
	s26 =	simm.s32 $0x10;
	p2 =	por $0x1, $0x1;
	v12 =	vimm.s32 $0x0;
	vm3 =	vmmov vm3;
	v11 =	vld [tilespmem:s28+$0x0]  }
.LBB2_50:
0x16f: {  	p3 =	sne.s32 s29, $0x1;
	v14 =	vmov s26  }
0x170: {  	vm4 =	vlt.s32 v14, v7;
	_ =	sdelay $0x2  }
.Ltmp23:
0x171: {  	vm5 =	vge.s32 v9, v13;
	(pc) =	sbr.rel @p3 .LBB2_50-.Ltmp23, $4  }
0x172: {  	vm5 =	vmand vm3, vm5;
	vm3 =	vmmov vm4  }
0x173: {  	v14 =	vmpcnt.ones.xlane vm5  }
0x174: {  	s28 =	sadd.s32 $0x10, s28;
	v13 =	vld.idx.msk [tilespmem:v11+s14+$0x0], vm4  }
0x175: {  	s29 =	sadd.s32 $0xFFFFFFFF, s29;
	s26 =	sadd.s32 $0x10, s26;
	v12 =	vadd.s32 v12, v14;
	v11 =	vld [tilespmem:s28+$0x0]  }
.LBB2_51:
0x176: {  	_ = 	snop  }
0x177: {  	v14 =	vmov s26  }
0x178: {  	vm4 =	vlt.s32 v14, v7;
	_ =	sdelay $0x5  }
0x179: {  	v11 =	vld.idx.msk [tilespmem:v11+s14+$0x0], vm4  }
0x17a: {  	vm5 =	vge.s32 @p2 v9, v13  }
0x17b: {  	vm3 =	vmand @p2 vm3, vm5  }
0x17c: {  	v13 =	vmpcnt.ones.xlane @p2 vm3;
	_ =	sdelay $0x1  }
0x17d: {  	vm4 =	vmmov vm4;
	vm3 =	vge.s32 v9, v11;
	v11 =	vadd.s32 @p2 v12, v13  }
0x17e: {  	vm3 =	vmand vm4, vm3;
	v10 =	vpsel p2, v11, v10;
	p2 =	seq.s32 s25, $0x1F  }
.Ltmp24:
0x17f: {  	v63 =	vmpcnt.ones.xlane vm3;
	(pc) =	sbr.rel @!p2 .LBB2_44-.Ltmp24, $4  }
.Ltmp25:
0x180: {  	_ = 	snop;
	(pc) =	sbr.rel @p2 .LBB2_52-.Ltmp25, $4  }
0x181: {  	v10 =	vadd.s32 v10, v63  }
0x182: {  	vm3 =	vgt.s32 v10, $0x3F;
	v10 =	vadd.s32 $0x1, v9  }
0x183: {  	v6 =	vsel vm3, v6, v10;
	v8 =	vsel vm3, v9, v8  }
0x184: {  	_ = 	snop  }
.LBB2_47:
.Ltmp26:
0x185: {  	(pc) =	sbr.rel .LBB2_51-.Ltmp26, $2  }
0x186: {  	_ =	sdelay $0x2  }
0x187: {  	v12 =	vimm.s32 $0x0  }
.LBB2_49:
.Ltmp27:
0x188: {  	(pc) =	sbr.rel .LBB2_51-.Ltmp27, $2  }
0x189: {  	_ =	sdelay $0x2  }
0x18a: {  	v12 =	vimm.s32 $0x0  }
.LBB2_55:
0x18b: {  	v7 =	vimm.f32 $0.0e+00;
	v6 =	vimm.f32 $0.0e+00  }
.LBB2_72:
0x18c: {  	(xrf2) =	vadd.scan.msk.f32 $0xffff, v7  }
0x18d: {  	(xrf2) =	vadd.scan.msk.f32 $0xffff, v6;
	_ =	sdelay $0x8  }
0x18e: {  	v6, _, _ =	vpop (xrf2)  }
0x18f: {  	v7, _, _ =	vpop (xrf2)  }
0x190: {  	v7 =	vbroadcast v7, $0xF;
	_ =	sdelay $0x1  }
0x191: {  	(erf) = vrcp.f32 v7;
	_ =	sdelay $0x5  }
0x192: {  	s20 =	sadd.s32 $0x1, s20  }
0x193: {  	p0 =	sne.s32 s20, $0x10  }
.Ltmp28:
0x194: {  	s22 =	sadd.s32 $0xFFFFFFF1, s22;
	v6 =	vbroadcast v6, $0xF;
	(pc) =	sbr.rel @p0 .LBB2_2-.Ltmp28, $4  }
.Ltmp29:
0x195: {  	v8 =	vmov s21;
	v9 =	vmov s22;
	v7 =	vpop (erf);
	(pc) =	sbr.rel @!p0 .LBB2_73-.Ltmp29, $4  }
0x196: {  	vm3 =	veq.s32 v8, v0;
	vm4 =	veq.s32 v9, v0;
	v6 =	vmul.f32 v7, v6  }
0x197: {  	vm1 =	vmand vm1, vm3;
	vm2 =	vmand vm2, vm4  }
0x198: {  	v5 =	vsel vm1, v6, v5;
	v4 =	vsel vm2, v6, v4  }
0x199: {  	_ = 	snop  }
.LBB2_17:
.Ltmp30:
0x19a: {  	(pc) =	sbr.rel @!p1 .LBB2_18-.Ltmp30, $3  }
0x19b: {  	_ =	sdelay $0x1  }
0x19c: {  	s25 =	simm.s32 $0x8000  }
0x19d: {  	v9 =	vadd.s32 $0xFFFFFFFF, v6;
	v8 =	vimm.s32 $0x0;
	s23 =	simm.s32 $0x0;
	p0 =	por $0x0, $0x0;
	v10 =	vld [tilespmem:s25+$0x0]  }
0x19e: {  	_ = 	snop  }
0x19f: {  	v11 =	vmov s23  }
0x1a0: {  	vm1 =	vlt.s32 v11, v7;
	_ =	sdelay $0x1  }
0x1a1: {  	p3 =	sne.s32 s24, $0x1  }
.Ltmp31:
0x1a2: {  	_ = 	snop;
	(pc) =	sbr.rel @!p3 .LBB2_22-.Ltmp31, $3  }
0x1a3: {  	_ =	sdelay $0x1  }
0x1a4: {  	s28 =	simm.s32 $0x8010;
	v12 =	vld.idx.msk [tilespmem:v10+s4+$0x0], vm1  }
0x1a5: {  	s29 =	sadd.s32 $0xFFFFFFFF, s24;
	s26 =	simm.s32 $0x10;
	p2 =	por $0x1, $0x1;
	v11 =	vimm.s32 $0x0;
	vm1 =	vmmov vm1;
	v10 =	vld [tilespmem:s28+$0x0]  }
.LBB2_23:
0x1a6: {  	p3 =	sne.s32 s29, $0x1;
	v13 =	vmov s26  }
0x1a7: {  	vm2 =	vlt.s32 v13, v7;
	_ =	sdelay $0x2  }
.Ltmp32:
0x1a8: {  	vm3 =	vge.s32 v9, v12;
	(pc) =	sbr.rel @p3 .LBB2_23-.Ltmp32, $4  }
0x1a9: {  	vm3 =	vmand vm1, vm3;
	vm1 =	vmmov vm2  }
0x1aa: {  	v13 =	vmpcnt.ones.xlane vm3  }
0x1ab: {  	s28 =	sadd.s32 $0x10, s28;
	v12 =	vld.idx.msk [tilespmem:v10+s4+$0x0], vm2  }
0x1ac: {  	s29 =	sadd.s32 $0xFFFFFFFF, s29;
	s26 =	sadd.s32 $0x10, s26;
	v11 =	vadd.s32 v11, v13;
	v10 =	vld [tilespmem:s28+$0x0]  }
.LBB2_24:
0x1ad: {  	_ = 	snop  }
0x1ae: {  	v13 =	vmov s26  }
0x1af: {  	vm2 =	vlt.s32 v13, v7;
	_ =	sdelay $0x5  }
0x1b0: {  	v10 =	vld.idx.msk [tilespmem:v10+s4+$0x0], vm2;
	_ =	sdelay $0x2  }
0x1b1: {  	vm3 =	vge.s32 @p2 v9, v12  }
0x1b2: {  	vm1 =	vmand @p2 vm1, vm3  }
0x1b3: {  	v12 =	vmpcnt.ones.xlane @p2 vm1;
	vm2 =	vmmov vm2;
	vm1 =	vge.s32 v9, v10  }
.Ltmp33:
0x1b4: {  	vm1 =	vmand vm2, vm1;
	(pc) =	sbr.rel @!p1 .LBB2_25-.Ltmp33, $4  }
0x1b5: {  	v9 =	vadd.s32 @p2 v11, v12;
	v10 =	vmpcnt.ones.xlane vm1  }
0x1b6: {  	v9 =	vpsel p2, v9, v8  }
0x1b7: {  	v9 =	vadd.s32 v9, v10  }
0x1b8: {  	v13 =	vld [tilespmem:s25+$0x0];
	v10 =	vsub.s32 $0x40, v9;
	v9 =	vimm.f32 $0.0e+00  }
0x1b9: {  	_ = 	snop  }
0x1ba: {  	v11 =	vmov s23  }
0x1bb: {  	vm1 =	vlt.s32 v11, v7  }
0x1bc: {  	p2 =	sne.s32 s24, $0x1  }
.Ltmp34:
0x1bd: {  	_ = 	snop;
	(pc) =	sbr.rel @!p2 .LBB2_27-.Ltmp34, $4  }
0x1be: {  	_ = 	snop  }
0x1bf: {  	s31 =	simm.s32 $0x8010  }
0x1c0: {  	v14 =	vld [tilespmem:s31+$0x0]  }
0x1c1: {  	s24 =	sadd.s32 $0xFFFFFFFF, s24;
	s23 =	simm.s32 $0x10;
	p1 =	por $0x1, $0x1;
	vm2 =	vmmov vm1;
	v12 =	vld.idx.msk [tilespmem:v13+s4+$0x0], vm1  }
0x1c2: {  	v11 =	vmov s23  }
0x1c3: {  	vm1 =	vlt.s32 v11, v7;
	_ =	sdelay $0x1  }
0x1c4: {  	p3 =	sne.s32 s24, $0x1  }
.Ltmp35:
0x1c5: {  	_ = 	snop;
	(pc) =	sbr.rel @!p3 .LBB2_29-.Ltmp35, $4  }
0x1c6: {  	vm3 =	veq.s32 v6, v12  }
0x1c7: {  	vm7 =	vmand vm2, vm3  }
0x1c8: {  	s31 =	simm.s32 $0x8020;
	v11 =	vsel vm7, $0x1, v1;
	v15 =	vld.idx.msk [tilespmem:v14+s4+$0x0], vm1  }
0x1c9: {  	vm8 =	vmmov vm2;
	s24 =	sadd.s32 $0xFFFFFFFF, s24;
	s23 =	simm.s32 $0x20;
	p2 =	por $0x1, $0x1;
	vm2 =	vmmov vm1;
	(xrf0) =	vadd.scan.msk.s32 $0xffff, v11;
	v11 =	vld [tilespmem:s31+$0x0]  }
0x1ca: {  	_ =	sdelay $0x1  }
0x1cb: {  	v16 =	vmov s23  }
0x1cc: {  	vm6 =	vlt.s32 v16, v7  }
0x1cd: {  	p4 =	sne.s32 s24, $0x1  }
.Ltmp36:
0x1ce: {  	vm4 =	vmmov vm7;
	vm5 =	vgt.s32 v6, v12;
	v16, _, _ =	vpop (xrf0);
	(pc) =	sbr.rel @!p4 .LBB2_31-.Ltmp36, $4  }
0x1cf: {  	vm7 =	vmand vm8, vm5;
	vm1 =	veq.s32 v6, v15;
	v16 =	vadd.s32 v8, v16  }
0x1d0: {  	s31 =	simm.s32 $0x8030;
	vm3 =	vmand vm2, vm1;
	vm1 =	vle.s32 v16, v10;
	v16 =	vmul.f32 v12, v3  }
0x1d1: {  	vm5 =	vmmov vm2;
	v25 =	vld [tilespmem:s31+$0x0];
	v17 =	vsel vm3, $0x1, v1;
	vm1 =	vmand vm4, vm1  }
0x1d2: {  	s25 =	sadd.s32 $0xFFFFFFFF, s24;
	s23 =	simm.s32 $0x30;
	p3 =	por $0x1, $0x1;
	vm2 =	vmmov vm6;
	(xrf0) =	vadd.scan.msk.s32 $0xffff, v17;
	v12 =	vld.idx.msk [tilespmem:v11+s4+$0x0], vm6;
	vm1 =	vmor vm7, vm1;
	v17 =	vmul.f32 $1.442695020e+00, v16  }
0x1d3: {  	_ =	sdelay $0x1  }
0x1d4: {  	v16 =	vmov s23;
	(erf) = vpow2.f32 v17  }
0x1d5: {  	vm11 =	vlt.s32 v16, v7;
	v16 =	vmpcnt.ones.xlane vm4  }
0x1d6: {  	vm6 =	vmmov vm1;
	vm9 =	vmmov vm3;
	p4 =	sne.s32 s25, $0x1;
	vm7 =	veq.s32 v6, v12  }
.Ltmp37:
0x1d7: {  	vm8 =	vgt.s32 v6, v15;
	v18 =	vadd.s32 v8, v16;
	v19, _, _ =	vpop (xrf0);
	vm7 =	vmand vm2, vm7;
	(pc) =	sbr.rel @!p4 .LBB2_33-.Ltmp37, $4  }
0x1d8: {  	v20 =	vmul.f32 v15, v3;
	v16 =	vadd.s32 v18, v19;
	v21 =	vsel vm7, $0x1, v1  }
0x1d9: {  	s24 =	simm.s32 $0x8040;
	v22 =	vimm.f32 $0.0e+00;
	vm12 =	vmand vm5, vm8;
	v19 =	vld.idx.msk [tilespmem:v13+s11+$0x0], vm1;
	vm10 =	vle.s32 v16, v10  }
0x1da: {  	vm8 =	vmmov vm2;
	v27 =	vld [tilespmem:s24+$0x0];
	v24 =	vmul.f32 $1.442695020e+00, v20;
	(xrf0) =	vadd.scan.msk.s32 $0xffff, v21;
	vm10 =	vmand vm9, vm10  }
0x1db: {  	s25 =	sadd.s32 $0xFFFFFFFF, s25;
	s23 =	simm.s32 $0x40;
	p0 =	por $0x1, $0x1;
	v20 =	vimm.f32 $0.0e+00;
	vm2 =	vmmov vm11;
	v16 =	vld.idx.msk [tilespmem:v25+s4+$0x0], vm11;
	vm10 =	vmor vm12, vm10;
	v21 =	vmovc v14  }
.LBB2_34:
0x1dc: {  	p4 =	sne.s32 s25, $0x1;
	v26 =	vmov s23;
	vm12 =	vmmov vm6;
	vm6 =	vmmov vm10  }
0x1dd: {  	vm11 =	vlt.s32 v26, v7;
	(erf) = vpow2.f32 v24;
	v23 =	vpop (erf)  }
0x1de: {  	v24 =	vmpcnt.ones.xlane vm9;
	v28 =	vnsel vm12, $0x0, v19;
	v23 =	vnsel vm12, $0x0, v23  }
0x1df: {  	vm9 =	vmmov vm7;
	v26 =	vmul.f32 v28, v23;
	v20 =	vadd.f32 v23, v20  }
.Ltmp38:
0x1e0: {  	vm12 =	vgt.s32 v6, v12;
	vm7 =	veq.s32 v6, v16;
	v18 =	vadd.s32 v18, v24;
	v19, _, _ =	vpop (xrf0);
	(pc) =	sbr.rel @p4 .LBB2_34-.Ltmp38, $4  }
0x1e1: {  	vm7 =	vmand vm2, vm7;
	v23 =	vadd.s32 v18, v19;
	v19 =	vld.idx.msk [tilespmem:v21+s11+$0x0], vm10;
	v22 =	vadd.f32 v26, v22;
	v21 =	vmovc v11  }
0x1e2: {  	v24 =	vsel vm7, $0x1, v1;
	v11 =	vmovc v25;
	vm10 =	vle.s32 v23, v10;
	v23 =	vmul.f32 v12, v3;
	v12 =	vmovc v16  }
0x1e3: {  	s24 =	sadd.s32 $0x10, s24;
	vm12 =	vmand vm8, vm12;
	vm8 =	vmmov vm2;
	v25 =	vmovc v27;
	v16 =	vld.idx.msk [tilespmem:v27+s4+$0x0], vm11;
	(xrf0) =	vadd.scan.msk.s32 $0xffff, v24;
	vm10 =	vmand vm9, vm10  }
0x1e4: {  	s25 =	sadd.s32 $0xFFFFFFFF, s25;
	s23 =	sadd.s32 $0x10, s23;
	vm2 =	vmmov vm11;
	v27 =	vld [tilespmem:s24+$0x0];
	vm10 =	vmor vm12, vm10;
	v24 =	vmul.f32 $1.442695020e+00, v23  }
0x1e5: {  	_ =	sdelay $0x3  }
0x1e6: {  	v26 =	vmov v11;
	v23 =	vmov v25;
	v11 =	vmov v27  }
.LBB2_36:
0x1e7: {  	v25 =	vmov s23;
	vm6 =	vmmov @p0 vm6  }
0x1e8: {  	vm12 =	vmmov @p3 vm10;
	vm7 =	vmmov @p2 vm7;
	vm11 =	vlt.s32 v25, v7  }
0x1e9: {  	v15 =	vpsel p1, v16, v15;
	v14 =	vpsel p1, v23, v14;
	v25 =	vmpcnt.ones.xlane @p3 vm9  }
0x1ea: {  	v7 =	vpop @p0 (erf);
	(erf) = vpow2.f32 @p3 v24;
	v19 =	vnsel @p0 vm6, $0x0, v19;
	vm9 =	vgt.s32 @p2 v6, v12  }
0x1eb: {  	v12 =	vmul.f32 @p2 v12, v3;
	vm4 =	vmmov @p2 vm7;
	v14 =	vpsel p1, v14, v0  }
0x1ec: {  	v7 =	vnsel @p0 vm6, $0x0, v7;
	vm6 =	veq.s32 @p1 v6, v16;
	vm8 =	vmand @p2 vm8, vm9  }
0x1ed: {  	v21 =	vld.idx.msk @p3 [tilespmem:v21+s11+$0x0], vm10;
	vm15 =	vmmov vm11;
	vm9 =	vmmov @p3 vm12;
	v19 =	vmul.f32 @p0 v19, v7  }
0x1ee: {  	v7 =	vadd.f32 @p0 v7, v20;
	v18 =	vadd.s32 @p3 v18, v25;
	vm13 =	vmand @p1 vm2, vm6;
	v57 =	vld.idx.msk [tilespmem:v11+s4+$0x0], vm11  }
0x1ef: {  	vm2 =	vmmov @p1 vm2;
	v19 =	vadd.f32 @p0 v19, v22;
	v22 =	vsel @p1 vm13, $0x1, v1  }
0x1f0: {  	v20, _, _ =	vpop @p2 (xrf0);
	v12 =	vmul.f32 @p2 $1.442695020e+00, v12;
	v18 =	vpsel p3, v18, v8;
	vm3 =	vmmov @p1 vm13;
	(xrf0) =	vadd.scan.msk.s32 @p1 $0xffff, v22  }
0x1f1: {  	vm5 =	vmmov @p1 vm2;
	vm2 =	vmmov @p3 vm9;
	v20 =	vadd.s32 @p2 v18, v20  }
0x1f2: {  	v12 =	vpsel p2, v12, v17;
	v17 =	vpsel p3, v21, v0;
	vm3 =	vmmov @p1 vm3  }
0x1f3: {  	v21 =	vmovc @p2 v26;
	vm13 =	vmmov vm15;
	vm6 =	vle.s32 @p2 v20, v10;
	vm12 =	veq.s32 v6, v57  }
0x1f4: {  	v22 =	vmpcnt.ones.xlane @p2 vm4;
	vm6 =	vmand @p2 vm7, vm6;
	vm4 =	vmand vm15, vm12  }
0x1f5: {  	vm7 =	vgt.s32 @p1 v6, v15;
	v15 =	vmul.f32 @p1 v15, v3;
	v58 =	vsel vm4, $0x1, v1  }
0x1f6: {  	v13 =	vpsel p2, v21, v13;
	(erf) = vpow2.f32 @p2 v12;
	v16 =	vadd.s32 @p2 v18, v22;
	v21, _, _ =	vpop @p1 (xrf0);
	(xrf0) =	vadd.scan.msk.s32 $0xffff, v58  }
0x1f7: {  	vm8 =	vmor @p2 vm8, vm6;
	v16 =	vpsel p2, v16, v8;
	v12 =	vmul.f32 @p1 $1.442695020e+00, v15  }
0x1f8: {  	vm9 =	vmmov @p1 vm3;
	vm1 =	vmmov @p2 vm8;
	v18 =	vadd.s32 @p1 v16, v21  }
0x1f9: {  	v12 =	vpsel p1, v12, v0;
	vm8 =	vle.s32 @p1 v18, v10;
	v18 =	vmpcnt.ones.xlane @p1 vm9  }
0x1fa: {  	vm5 =	vmand @p1 vm5, vm7;
	(erf) = vpow2.f32 @p1 v12;
	vm3 =	vmand @p1 vm3, vm8  }
0x1fb: {  	vm14 =	vgt.s32 v6, v57;
	v6 =	vpop @p3 (erf);
	vm3 =	vmor @p1 vm5, vm3;
	v15 =	vadd.s32 @p1 v16, v18  }
0x1fc: {  	v60 =	vmul.f32 v57, v3;
	vm3 =	vmmov @p1 vm3;
	v8 =	vpsel p1, v15, v8;
	v59, _, _ =	vpop (xrf0)  }
0x1fd: {  	v12 =	vnsel @p3 vm2, $0x0, v17;
	v6 =	vnsel @p3 vm2, $0x0, v6;
	v8 =	vadd.s32 v8, v59  }
0x1fe: {  	vm4 =	vmmov vm4;
	v61 =	vmul.f32 $1.442695020e+00, v60;
	vm15 =	vle.s32 v8, v10  }
0x1ff: {  	v12 =	vmul.f32 @p3 v12, v6;
	vm5 =	vmand vm13, vm14;
	v8 =	vld.idx.msk @p2 [tilespmem:v13+s11+$0x0], vm1;
	vm4 =	vmand vm4, vm15  }
0x200: {  	vm2 =	vmor vm5, vm4  }
0x201: {  	v7 =	vpsel p0, v7, v9;
	(erf) = vpow2.f32 v61;
	vm1 =	vmmov @p2 vm1  }
0x202: {  	v6 =	vadd.f32 @p3 v6, v7;
	v10 =	vpsel p0, v19, v9;
	v7 =	vld.idx.msk @p1 [tilespmem:v14+s11+$0x0], vm3;
	vm1 =	vmmov @p2 vm1  }
0x203: {  	v10 =	vadd.f32 @p3 v12, v10;
	v12 =	vpop @p2 (erf);
	vm1 =	vmmov @p2 vm1  }
0x204: {  	v12 =	vnsel @p2 vm1, $0x0, v12;
	v8 =	vpsel p2, v8, v0  }
0x205: {  	v6 =	vpsel p3, v6, v9;
	vm3 =	vmmov @p1 vm3;
	v8 =	vnsel @p2 vm1, $0x0, v8  }
0x206: {  	v10 =	vpsel p3, v10, v9;
	vm1 =	vmmov @p1 vm3;
	v8 =	vmul.f32 @p2 v8, v12;
	v62 =	vld.idx.msk [tilespmem:v11+s11+$0x0], vm2  }
0x207: {  	v6 =	vadd.f32 @p2 v12, v6;
	v7 =	vpsel p1, v7, v0;
	vm1 =	vmmov @p1 vm1;
	v12 =	vpop @p1 (erf)  }
0x208: {  	v7 =	vnsel @p1 vm1, $0x0, v7;
	v8 =	vadd.f32 @p2 v8, v10;
	v10 =	vnsel @p1 vm1, $0x0, v12  }
0x209: {  	v6 =	vpsel p2, v6, v9;
	vm1 =	vmmov vm2;
	v7 =	vmul.f32 @p1 v7, v10  }
0x20a: {  	v63 =	vpop (erf);
	v6 =	vadd.f32 @p1 v10, v6;
	vm1 =	vmmov vm1;
	v8 =	vpsel p2, v8, v9  }
.Ltmp39:
0x20b: {  	v10 =	vnsel vm1, $0x0, v63;
	v7 =	vadd.f32 @p1 v7, v8;
	v8 =	vnsel vm1, $0x0, v62;
	(pc) =	sbr.rel .LBB2_37-.Ltmp39, $4  }
0x20c: {  	v8 =	vmul.f32 v8, v10  }
0x20d: {  	v7 =	vpsel p1, v7, v9  }
0x20e: {  	v6 =	vpsel p1, v6, v9;
	v7 =	vadd.f32 v8, v7  }
0x20f: {  	v6 =	vadd.f32 v10, v6  }
.LBB2_52:
.Ltmp40:
0x210: {  	(pc) =	sbr.rel @!p1 .LBB2_53-.Ltmp40, $3  }
0x211: {  	_ =	sdelay $0x1  }
0x212: {  	s25 =	simm.s32 $0x8000  }
0x213: {  	v9 =	vadd.s32 $0xFFFFFFFF, v6;
	v8 =	vimm.s32 $0x0;
	s23 =	simm.s32 $0x0;
	p0 =	por $0x0, $0x0;
	v10 =	vld [tilespmem:s25+$0x0]  }
0x214: {  	_ = 	snop  }
0x215: {  	v11 =	vmov s23  }
0x216: {  	vm3 =	vlt.s32 v11, v7;
	_ =	sdelay $0x1  }
0x217: {  	p3 =	sne.s32 s24, $0x1  }
.Ltmp41:
0x218: {  	_ = 	snop;
	(pc) =	sbr.rel @!p3 .LBB2_57-.Ltmp41, $3  }
0x219: {  	_ =	sdelay $0x1  }
0x21a: {  	s28 =	simm.s32 $0x8010;
	v12 =	vld.idx.msk [tilespmem:v10+s14+$0x0], vm3  }
0x21b: {  	s29 =	sadd.s32 $0xFFFFFFFF, s24;
	s26 =	simm.s32 $0x10;
	p2 =	por $0x1, $0x1;
	v11 =	vimm.s32 $0x0;
	vm3 =	vmmov vm3;
	v10 =	vld [tilespmem:s28+$0x0]  }
.LBB2_58:
0x21c: {  	p3 =	sne.s32 s29, $0x1;
	v13 =	vmov s26  }
0x21d: {  	vm4 =	vlt.s32 v13, v7;
	_ =	sdelay $0x2  }
.Ltmp42:
0x21e: {  	vm5 =	vge.s32 v9, v12;
	(pc) =	sbr.rel @p3 .LBB2_58-.Ltmp42, $4  }
0x21f: {  	vm5 =	vmand vm3, vm5;
	vm3 =	vmmov vm4  }
0x220: {  	v13 =	vmpcnt.ones.xlane vm5  }
0x221: {  	s28 =	sadd.s32 $0x10, s28;
	v12 =	vld.idx.msk [tilespmem:v10+s14+$0x0], vm4  }
0x222: {  	s29 =	sadd.s32 $0xFFFFFFFF, s29;
	s26 =	sadd.s32 $0x10, s26;
	v11 =	vadd.s32 v11, v13;
	v10 =	vld [tilespmem:s28+$0x0]  }
.LBB2_59:
0x223: {  	_ = 	snop  }
0x224: {  	v13 =	vmov s26  }
0x225: {  	vm4 =	vlt.s32 v13, v7;
	_ =	sdelay $0x5  }
0x226: {  	v10 =	vld.idx.msk [tilespmem:v10+s14+$0x0], vm4;
	_ =	sdelay $0x2  }
0x227: {  	vm5 =	vge.s32 @p2 v9, v12  }
0x228: {  	vm3 =	vmand @p2 vm3, vm5  }
0x229: {  	v12 =	vmpcnt.ones.xlane @p2 vm3;
	vm4 =	vmmov vm4;
	vm3 =	vge.s32 v9, v10  }
.Ltmp43:
0x22a: {  	vm3 =	vmand vm4, vm3;
	(pc) =	sbr.rel @!p1 .LBB2_60-.Ltmp43, $4  }
0x22b: {  	v9 =	vadd.s32 @p2 v11, v12;
	v10 =	vmpcnt.ones.xlane vm3  }
0x22c: {  	v9 =	vpsel p2, v9, v8  }
0x22d: {  	v9 =	vadd.s32 v9, v10  }
0x22e: {  	v13 =	vld [tilespmem:s25+$0x0];
	v10 =	vsub.s32 $0x40, v9;
	v9 =	vimm.f32 $0.0e+00  }
0x22f: {  	_ = 	snop  }
0x230: {  	v11 =	vmov s23  }
0x231: {  	vm3 =	vlt.s32 v11, v7  }
0x232: {  	p2 =	sne.s32 s24, $0x1  }
.Ltmp44:
0x233: {  	_ = 	snop;
	(pc) =	sbr.rel @!p2 .LBB2_62-.Ltmp44, $4  }
0x234: {  	_ = 	snop  }
0x235: {  	s31 =	simm.s32 $0x8010  }
0x236: {  	v14 =	vld [tilespmem:s31+$0x0]  }
0x237: {  	s24 =	sadd.s32 $0xFFFFFFFF, s24;
	s23 =	simm.s32 $0x10;
	p1 =	por $0x1, $0x1;
	vm4 =	vmmov vm3;
	v12 =	vld.idx.msk [tilespmem:v13+s14+$0x0], vm3  }
0x238: {  	v11 =	vmov s23  }
0x239: {  	vm3 =	vlt.s32 v11, v7;
	_ =	sdelay $0x1  }
0x23a: {  	p3 =	sne.s32 s24, $0x1  }
.Ltmp45:
0x23b: {  	_ = 	snop;
	(pc) =	sbr.rel @!p3 .LBB2_64-.Ltmp45, $4  }
0x23c: {  	vm5 =	veq.s32 v6, v12  }
0x23d: {  	vm9 =	vmand vm4, vm5  }
0x23e: {  	s31 =	simm.s32 $0x8020;
	v11 =	vsel vm9, $0x1, v1;
	v15 =	vld.idx.msk [tilespmem:v14+s14+$0x0], vm3  }
0x23f: {  	vm10 =	vmmov vm4;
	s24 =	sadd.s32 $0xFFFFFFFF, s24;
	s23 =	simm.s32 $0x20;
	p2 =	por $0x1, $0x1;
	vm4 =	vmmov vm3;
	(xrf0) =	vadd.scan.msk.s32 $0xffff, v11;
	v11 =	vld [tilespmem:s31+$0x0]  }
0x240: {  	_ =	sdelay $0x1  }
0x241: {  	v16 =	vmov s23  }
0x242: {  	vm8 =	vlt.s32 v16, v7  }
0x243: {  	p4 =	sne.s32 s24, $0x1  }
.Ltmp46:
0x244: {  	vm6 =	vmmov vm9;
	vm7 =	vgt.s32 v6, v12;
	v16, _, _ =	vpop (xrf0);
	(pc) =	sbr.rel @!p4 .LBB2_66-.Ltmp46, $4  }
0x245: {  	vm15 =	vmand vm10, vm7;
	vm3 =	veq.s32 v6, v15;
	v16 =	vadd.s32 v8, v16  }
0x246: {  	s31 =	simm.s32 $0x8030;
	vm5 =	vmand vm4, vm3;
	vm3 =	vle.s32 v16, v10;
	v16 =	vmul.f32 v12, v3  }
0x247: {  	vm7 =	vmmov vm4;
	v25 =	vld [tilespmem:s31+$0x0];
	v17 =	vsel vm5, $0x1, v1;
	vm3 =	vmand vm6, vm3  }
0x248: {  	s25 =	sadd.s32 $0xFFFFFFFF, s24;
	s23 =	simm.s32 $0x30;
	p3 =	por $0x1, $0x1;
	vm4 =	vmmov vm8;
	(xrf0) =	vadd.scan.msk.s32 $0xffff, v17;
	v12 =	vld.idx.msk [tilespmem:v11+s14+$0x0], vm8;
	vm3 =	vmor vm15, vm3;
	v17 =	vmul.f32 $1.442695020e+00, v16  }
0x249: {  	_ =	sdelay $0x1  }
0x24a: {  	v16 =	vmov s23;
	(erf) = vpow2.f32 v17  }
0x24b: {  	vm13 =	vlt.s32 v16, v7;
	v16 =	vmpcnt.ones.xlane vm6  }
0x24c: {  	vm8 =	vmmov vm3;
	vm11 =	vmmov vm5;
	p4 =	sne.s32 s25, $0x1;
	vm9 =	veq.s32 v6, v12  }
.Ltmp47:
0x24d: {  	vm10 =	vgt.s32 v6, v15;
	v18 =	vadd.s32 v8, v16;
	v19, _, _ =	vpop (xrf0);
	vm9 =	vmand vm4, vm9;
	(pc) =	sbr.rel @!p4 .LBB2_68-.Ltmp47, $4  }
0x24e: {  	v20 =	vmul.f32 v15, v3;
	v16 =	vadd.s32 v18, v19;
	v21 =	vsel vm9, $0x1, v1  }
0x24f: {  	s24 =	simm.s32 $0x8040;
	v22 =	vimm.f32 $0.0e+00;
	vm14 =	vmand vm7, vm10;
	v19 =	vld.idx.msk [tilespmem:v13+s11+$0x0], vm3;
	vm12 =	vle.s32 v16, v10  }
0x250: {  	vm10 =	vmmov vm4;
	v27 =	vld [tilespmem:s24+$0x0];
	v24 =	vmul.f32 $1.442695020e+00, v20;
	(xrf0) =	vadd.scan.msk.s32 $0xffff, v21;
	vm12 =	vmand vm11, vm12  }
0x251: {  	s25 =	sadd.s32 $0xFFFFFFFF, s25;
	s23 =	simm.s32 $0x40;
	p0 =	por $0x1, $0x1;
	v20 =	vimm.f32 $0.0e+00;
	vm4 =	vmmov vm13;
	v16 =	vld.idx.msk [tilespmem:v25+s14+$0x0], vm13;
	vm12 =	vmor vm14, vm12;
	v21 =	vmovc v14  }
.LBB2_69:
0x252: {  	p4 =	sne.s32 s25, $0x1;
	v26 =	vmov s23;
	vm14 =	vmmov vm8;
	vm8 =	vmmov vm12  }
0x253: {  	vm13 =	vlt.s32 v26, v7;
	(erf) = vpow2.f32 v24;
	v23 =	vpop (erf)  }
0x254: {  	v24 =	vmpcnt.ones.xlane vm11;
	v28 =	vnsel vm14, $0x0, v19;
	v23 =	vnsel vm14, $0x0, v23  }
0x255: {  	vm11 =	vmmov vm9;
	v26 =	vmul.f32 v28, v23;
	v20 =	vadd.f32 v23, v20  }
.Ltmp48:
0x256: {  	vm14 =	vgt.s32 v6, v12;
	vm9 =	veq.s32 v6, v16;
	v18 =	vadd.s32 v18, v24;
	v19, _, _ =	vpop (xrf0);
	(pc) =	sbr.rel @p4 .LBB2_69-.Ltmp48, $4  }
0x257: {  	vm9 =	vmand vm4, vm9;
	v23 =	vadd.s32 v18, v19;
	v19 =	vld.idx.msk [tilespmem:v21+s11+$0x0], vm12;
	v22 =	vadd.f32 v26, v22;
	v21 =	vmovc v11  }
0x258: {  	v24 =	vsel vm9, $0x1, v1;
	v11 =	vmovc v25;
	vm12 =	vle.s32 v23, v10;
	v23 =	vmul.f32 v12, v3;
	v12 =	vmovc v16  }
0x259: {  	s24 =	sadd.s32 $0x10, s24;
	vm14 =	vmand vm10, vm14;
	vm10 =	vmmov vm4;
	v25 =	vmovc v27;
	v16 =	vld.idx.msk [tilespmem:v27+s14+$0x0], vm13;
	(xrf0) =	vadd.scan.msk.s32 $0xffff, v24;
	vm12 =	vmand vm11, vm12  }
0x25a: {  	s25 =	sadd.s32 $0xFFFFFFFF, s25;
	s23 =	sadd.s32 $0x10, s23;
	vm4 =	vmmov vm13;
	v27 =	vld [tilespmem:s24+$0x0];
	vm12 =	vmor vm14, vm12;
	v24 =	vmul.f32 $1.442695020e+00, v23  }
0x25b: {  	_ =	sdelay $0x3  }
0x25c: {  	v26 =	vmov v11;
	v23 =	vmov v25;
	v11 =	vmov v27  }
.LBB2_71:
0x25d: {  	v25 =	vmov s23;
	vm8 =	vmmov @p0 vm8  }
0x25e: {  	vm14 =	vmmov @p3 vm12;
	vm9 =	vmmov @p2 vm9;
	vm13 =	vlt.s32 v25, v7  }
0x25f: {  	v15 =	vpsel p1, v16, v15;
	v14 =	vpsel p1, v23, v14;
	v25 =	vmpcnt.ones.xlane @p3 vm11  }
0x260: {  	v7 =	vpop @p0 (erf);
	(erf) = vpow2.f32 @p3 v24;
	v19 =	vnsel @p0 vm8, $0x0, v19;
	vm11 =	vgt.s32 @p2 v6, v12  }
0x261: {  	v12 =	vmul.f32 @p2 v12, v3;
	vm6 =	vmmov @p2 vm9;
	v14 =	vpsel p1, v14, v0  }
0x262: {  	v7 =	vnsel @p0 vm8, $0x0, v7;
	vm8 =	veq.s32 @p1 v6, v16;
	vm10 =	vmand @p2 vm10, vm11  }
0x263: {  	v21 =	vld.idx.msk @p3 [tilespmem:v21+s11+$0x0], vm12;
	vm11 =	vmmov @p3 vm14;
	v19 =	vmul.f32 @p0 v19, v7;
	v18 =	vadd.s32 @p3 v18, v25  }
0x264: {  	v7 =	vadd.f32 @p0 v7, v20;
	v20, _, _ =	vpop @p2 (xrf0);
	vm15 =	vmand @p1 vm4, vm8;
	v18 =	vpsel p3, v18, v8;
	v57 =	vld.idx.msk [tilespmem:v11+s14+$0x0], vm13  }
0x265: {  	v20 =	vadd.s32 @p2 v18, v20;
	v19 =	vadd.f32 @p0 v19, v22;
	v22 =	vsel @p1 vm15, $0x1, v1  }
0x266: {  	vm4 =	vmmov @p1 vm4;
	v12 =	vmul.f32 @p2 $1.442695020e+00, v12;
	vm8 =	vle.s32 @p2 v20, v10;
	(xrf0) =	vadd.scan.msk.s32 @p1 $0xffff, v22  }
0x267: {  	vm5 =	vmmov @p1 vm15;
	vm7 =	vmmov @p1 vm4;
	vm8 =	vmand @p2 vm9, vm8  }
0x268: {  	v12 =	vpsel p2, v12, v17;
	v17 =	vpsel p3, v21, v0;
	vm10 =	vmor @p2 vm10, vm8  }
0x269: {  	v21 =	vmovc @p2 v26;
	vm13 =	vmmov vm13;
	vm3 =	vmmov @p2 vm10;
	vm10 =	veq.s32 v6, v57  }
0x26a: {  	vm4 =	vmmov @p3 vm11;
	v22 =	vmpcnt.ones.xlane @p2 vm6;
	vm6 =	vmand vm13, vm10  }
0x26b: {  	vm9 =	vgt.s32 @p1 v6, v15;
	v15 =	vmul.f32 @p1 v15, v3;
	v58 =	vsel vm6, $0x1, v1  }
0x26c: {  	vm5 =	vmmov @p1 vm5;
	v13 =	vpsel p2, v21, v13;
	v16 =	vadd.s32 @p2 v18, v22;
	v21, _, _ =	vpop @p1 (xrf0);
	(xrf0) =	vadd.scan.msk.s32 $0xffff, v58  }
0x26d: {  	(erf) = vpow2.f32 @p2 v12;
	v16 =	vpsel p2, v16, v8;
	v12 =	vmul.f32 @p1 $1.442695020e+00, v15  }
0x26e: {  	vm11 =	vmmov @p1 vm5;
	vm7 =	vmand @p1 vm7, vm9;
	v18 =	vadd.s32 @p1 v16, v21  }
0x26f: {  	v12 =	vpsel p1, v12, v0;
	vm10 =	vle.s32 @p1 v18, v10;
	v18 =	vmpcnt.ones.xlane @p1 vm11  }
0x270: {  	vm12 =	vmmov vm13;
	(erf) = vpow2.f32 @p1 v12;
	vm5 =	vmand @p1 vm5, vm10  }
0x271: {  	v60 =	vmul.f32 v57, v3;
	vm5 =	vmor @p1 vm7, vm5;
	v15 =	vadd.s32 @p1 v16, v18  }
0x272: {  	v12 =	vnsel @p3 vm4, $0x0, v17;
	vm5 =	vmmov @p1 vm5;
	v8 =	vpsel p1, v15, v8;
	v59, _, _ =	vpop (xrf0)  }
0x273: {  	vm13 =	vgt.s32 v6, v57;
	v6 =	vpop @p3 (erf);
	vm6 =	vmmov vm6;
	v8 =	vadd.s32 v8, v59  }
0x274: {  	v61 =	vmul.f32 $1.442695020e+00, v60;
	v6 =	vnsel @p3 vm4, $0x0, v6;
	vm14 =	vle.s32 v8, v10  }
0x275: {  	v12 =	vmul.f32 @p3 v12, v6;
	vm7 =	vmand vm12, vm13;
	v8 =	vld.idx.msk @p2 [tilespmem:v13+s11+$0x0], vm3;
	vm6 =	vmand vm6, vm14  }
0x276: {  	vm15 =	vmor vm7, vm6  }
0x277: {  	v7 =	vpsel p0, v7, v9;
	(erf) = vpow2.f32 v61;
	vm3 =	vmmov @p2 vm3  }
0x278: {  	v6 =	vadd.f32 @p3 v6, v7;
	v10 =	vpsel p0, v19, v9;
	v7 =	vld.idx.msk @p1 [tilespmem:v14+s11+$0x0], vm5;
	vm3 =	vmmov @p2 vm3  }
0x279: {  	v10 =	vadd.f32 @p3 v12, v10;
	v12 =	vpop @p2 (erf);
	vm3 =	vmmov @p2 vm3  }
0x27a: {  	v12 =	vnsel @p2 vm3, $0x0, v12;
	v8 =	vpsel p2, v8, v0  }
0x27b: {  	v6 =	vpsel p3, v6, v9;
	vm5 =	vmmov @p1 vm5;
	v8 =	vnsel @p2 vm3, $0x0, v8  }
0x27c: {  	v10 =	vpsel p3, v10, v9;
	vm3 =	vmmov @p1 vm5;
	v8 =	vmul.f32 @p2 v8, v12;
	v62 =	vld.idx.msk [tilespmem:v11+s11+$0x0], vm15  }
0x27d: {  	v6 =	vadd.f32 @p2 v12, v6;
	v7 =	vpsel p1, v7, v0;
	vm3 =	vmmov @p1 vm3;
	v12 =	vpop @p1 (erf)  }
0x27e: {  	v7 =	vnsel @p1 vm3, $0x0, v7;
	v8 =	vadd.f32 @p2 v8, v10;
	v10 =	vnsel @p1 vm3, $0x0, v12  }
0x27f: {  	v6 =	vpsel p2, v6, v9;
	vm3 =	vmmov vm15;
	v7 =	vmul.f32 @p1 v7, v10  }
0x280: {  	v63 =	vpop (erf);
	v6 =	vadd.f32 @p1 v10, v6;
	vm3 =	vmmov vm3;
	v8 =	vpsel p2, v8, v9  }
.Ltmp49:
0x281: {  	v10 =	vnsel vm3, $0x0, v63;
	v7 =	vadd.f32 @p1 v7, v8;
	v8 =	vnsel vm3, $0x0, v62;
	(pc) =	sbr.rel .LBB2_72-.Ltmp49, $4  }
0x282: {  	v8 =	vmul.f32 v8, v10  }
0x283: {  	v7 =	vpsel p1, v7, v9  }
0x284: {  	v6 =	vpsel p1, v6, v9;
	v7 =	vadd.f32 v8, v7  }
0x285: {  	v6 =	vadd.f32 v10, v6  }
.LBB2_18:
.Ltmp50:
0x286: {  	(pc) =	sbr.rel .LBB2_24-.Ltmp50, $2  }
0x287: {  	_ =	sdelay $0x2  }
0x288: {  	s26 =	simm.s32 $0x0;
	v11 =	vimm.s32 $0x0;
	p2 =	por $0x0, $0x0  }
.LBB2_25:
.Ltmp51:
0x289: {  	_ = 	snop;
	(pc) =	sbr.rel .LBB2_36-.Ltmp51, $2  }
0x28a: {  	_ =	sdelay $0x2  }
0x28b: {  	v20 =	vimm.f32 $0.0e+00;
	v18 =	vimm.s32 $0x0;
	v22 =	vimm.f32 $0.0e+00;
	p1 =	por $0x0, $0x0;
	p2 =	por $0x0, $0x0;
	p3 =	por $0x0, $0x0;
	v11 =	vmovc v13  }
.LBB2_53:
.Ltmp52:
0x28c: {  	(pc) =	sbr.rel .LBB2_59-.Ltmp52, $2  }
0x28d: {  	_ =	sdelay $0x2  }
0x28e: {  	s26 =	simm.s32 $0x0;
	v11 =	vimm.s32 $0x0;
	p2 =	por $0x0, $0x0  }
.LBB2_60:
.Ltmp53:
0x28f: {  	_ = 	snop;
	(pc) =	sbr.rel .LBB2_71-.Ltmp53, $2  }
0x290: {  	_ =	sdelay $0x2  }
0x291: {  	v20 =	vimm.f32 $0.0e+00;
	v18 =	vimm.s32 $0x0;
	v22 =	vimm.f32 $0.0e+00;
	p1 =	por $0x0, $0x0;
	p2 =	por $0x0, $0x0;
	p3 =	por $0x0, $0x0;
	v11 =	vmovc v13  }
.LBB2_22:
.Ltmp54:
0x292: {  	(pc) =	sbr.rel .LBB2_24-.Ltmp54, $2  }
0x293: {  	_ =	sdelay $0x2  }
0x294: {  	v11 =	vimm.s32 $0x0  }
.LBB2_27:
.Ltmp55:
0x295: {  	_ = 	snop;
	(pc) =	sbr.rel .LBB2_36-.Ltmp55, $3  }
0x296: {  	_ =	sdelay $0x1  }
0x297: {  	v23 =	vmov v13  }
0x298: {  	v20 =	vimm.f32 $0.0e+00;
	v18 =	vimm.s32 $0x0;
	v22 =	vimm.f32 $0.0e+00;
	p2 =	por $0x0, $0x0;
	p3 =	por $0x0, $0x0;
	v11 =	vmovc v14;
	v16 =	vmovc v12  }
.LBB2_57:
.Ltmp56:
0x299: {  	(pc) =	sbr.rel .LBB2_59-.Ltmp56, $2  }
0x29a: {  	_ =	sdelay $0x2  }
0x29b: {  	v11 =	vimm.s32 $0x0  }
.LBB2_62:
.Ltmp57:
0x29c: {  	_ = 	snop;
	(pc) =	sbr.rel .LBB2_71-.Ltmp57, $3  }
0x29d: {  	_ =	sdelay $0x1  }
0x29e: {  	v23 =	vmov v13  }
0x29f: {  	v20 =	vimm.f32 $0.0e+00;
	v18 =	vimm.s32 $0x0;
	v22 =	vimm.f32 $0.0e+00;
	p2 =	por $0x0, $0x0;
	p3 =	por $0x0, $0x0;
	v11 =	vmovc v14;
	v16 =	vmovc v12  }
.LBB2_29:
.Ltmp58:
0x2a0: {  	(pc) =	sbr.rel .LBB2_36-.Ltmp58, $3  }
0x2a1: {  	_ =	sdelay $0x1  }
0x2a2: {  	v26 =	vmov v13  }
0x2a3: {  	v23 =	vmovc v14;
	v20 =	vimm.f32 $0.0e+00;
	v18 =	vimm.s32 $0x0;
	v22 =	vimm.f32 $0.0e+00;
	p3 =	por $0x0, $0x0;
	v16 =	vmovc v15  }
.LBB2_64:
.Ltmp59:
0x2a4: {  	(pc) =	sbr.rel .LBB2_71-.Ltmp59, $3  }
0x2a5: {  	_ =	sdelay $0x1  }
0x2a6: {  	v26 =	vmov v13  }
0x2a7: {  	v23 =	vmovc v14;
	v20 =	vimm.f32 $0.0e+00;
	v18 =	vimm.s32 $0x0;
	v22 =	vimm.f32 $0.0e+00;
	p3 =	por $0x0, $0x0;
	v16 =	vmovc v15  }
.LBB2_31:
.Ltmp60:
0x2a8: {  	_ = 	snop;
	(pc) =	sbr.rel .LBB2_36-.Ltmp60, $4  }
0x2a9: {  	_ = 	snop  }
0x2aa: {  	v23 =	vmovc v11;
	vm10 =	vmmov vm1;
	vm9 =	vmmov vm4;
	v20 =	vimm.f32 $0.0e+00  }
0x2ab: {  	vm7 =	vmmov vm3;
	v18 =	vimm.s32 $0x0;
	v21 =	vmovc v13;
	v22 =	vimm.f32 $0.0e+00;
	v26 =	vmovc v14  }
0x2ac: {  	vm8 =	vmmov vm5;
	v24 =	vmovc v17;
	v11 =	vmovc v25;
	v16 =	vmov v12;
	v12 =	vmov v15  }
.LBB2_66:
.Ltmp61:
0x2ad: {  	_ = 	snop;
	(pc) =	sbr.rel .LBB2_71-.Ltmp61, $4  }
0x2ae: {  	_ = 	snop  }
0x2af: {  	v23 =	vmovc v11;
	vm12 =	vmmov vm3;
	vm11 =	vmmov vm6;
	v20 =	vimm.f32 $0.0e+00  }
0x2b0: {  	vm9 =	vmmov vm5;
	v18 =	vimm.s32 $0x0;
	v21 =	vmovc v13;
	v22 =	vimm.f32 $0.0e+00;
	v26 =	vmovc v14  }
0x2b1: {  	vm10 =	vmmov vm7;
	v24 =	vmovc v17;
	v11 =	vmovc v25;
	v16 =	vmov v12;
	v12 =	vmov v15  }
.LBB2_33:
.Ltmp62:
0x2b2: {  	(pc) =	sbr.rel .LBB2_36-.Ltmp62, $3  }
0x2b3: {  	_ =	sdelay $0x1  }
0x2b4: {  	v26 =	vmov v11  }
0x2b5: {  	v20 =	vimm.f32 $0.0e+00;
	v21 =	vmovc v14;
	v22 =	vimm.f32 $0.0e+00;
	v23 =	vmovc v25;
	v11 =	vmov v27  }
.LBB2_68:
.Ltmp63:
0x2b6: {  	(pc) =	sbr.rel .LBB2_71-.Ltmp63, $3  }
0x2b7: {  	_ =	sdelay $0x1  }
0x2b8: {  	v26 =	vmov v11  }
0x2b9: {  	v20 =	vimm.f32 $0.0e+00;
	v21 =	vmovc v14;
	v22 =	vimm.f32 $0.0e+00;
	v23 =	vmovc v25;
	v11 =	vmov v27  }
.LBB2_74:
0x2ba: {  	_ =	sfence.sel $0x180000  }
0x2bb: {  	[bflag:$0x0] =	sbarrier.arrive $0xFFFF  }
0x2bc: {  	p0 =	sne.s32 s3, $0x0;
	_ =	strace $0x90000047  }
0x2bd: {  	s0 =	sadd.s32 @!p0 $0x100000, s0;
	[bflag:$0x2] =	sbarrier.arrive $0xFFFF  }
0x2be: {  	[sflag:s0] =	ssyncadd.tile.s32 @!p0 $0x1;
	_ =	shalt  }
.Lfunc_end2:
_tile_overlayer_lowered:
.L_overlay_start_2:
0x2bf: {  	(tag) =	ssettag $0x2  }
0x2c0: {  	s0 =	rddreg [dreg:$0x0];
	s2 =	stileid.u32  }
0x2c1: {  	s1 =	rddreg [dreg:$0x1];
	p0 =	sne.s32 s2, $0x0  }
0x2c2: {  	s3 =	rddreg [dreg:$0x2];
	[bflag:$0x3] =	sbarrier.arrive $0xFFFF;
	s2 =	simm.s32 @!p0 $0x1C03  }
0x2c3: {  	[timem:s3], [sflag:s2] =	dma.local @!p0 [hbm:s0], s1  }
0x2c4: {  	s0 =	simm.s32 @!p0 $0x3  }
0x2c5: {  	_ =	swait.ge @!p0 [sflag:s0], s1  }
0x2c6: {  	s1 =	ssub.s32 @!p0 $0x0, s1;
	[sflag:s0] =	ssyncset.done @!p0 $0x0  }
0x2c7: {  	[sflag:s0] =	ssyncadd.s32 @!p0 s1  }
0x2c8: {  	[bflag:$0x3] =	sbarrier.arrive $0xFFFF  }
0x2c9: {  	_ =	shalt  }

</sc_bundles>
